<compile_context>
chip_gen: v7x
topology: tpu7x:2x2x1
jax: 0.10.2.dev20260603
libtpu: 0.0.44.dev20260713+nightly
codegen_flags: <defaults>
</compile_context>

<pallas_src>
import functools

import jax
import jax.numpy as jnp
from jax import lax
from jax.experimental import pallas as pl
from jax.experimental.pallas import tpu as pltpu
from jax.experimental.pallas import tpu_sc as plsc

N = 10000
E = 160000
D = 256
H = 128
NC = 2
NS = 16
CHUNK = 128
EPAD = 163840
EPT = EPAD // NS
NCH = EPT // CHUNK
NBUF = 2
DBLK = 40
NPAD = 10240
RPT = NPAD // NS
ROWB = 1000


def _mm_body(f_ref, w_ref, o_ref):
    o_ref[0] = lax.dot_general(
        f_ref[...].astype(jnp.bfloat16), w_ref[0].astype(jnp.bfloat16),
        dimension_numbers=(((1,), (1,)), ((), ())),
        preferred_element_type=jnp.float32,
    )


def _tc_matmul(feature, Wr):
    return pl.pallas_call(
        _mm_body,
        grid=(N // ROWB, NC),
        in_specs=[
            pl.BlockSpec((ROWB, D), lambda i, k: (i, 0)),
            pl.BlockSpec((1, H, D), lambda i, k: (k, 0, 0)),
        ],
        out_specs=pl.BlockSpec((1, ROWB, H), lambda i, k: (k, i, 0)),
        out_shape=jax.ShapeDtypeStruct((NC, N, H), jnp.float32),
    )(feature, Wr)


_sc_mesh = plsc.VectorSubcoreMesh(core_axis_name="c", subcore_axis_name="s")


@functools.partial(
    pl.kernel,
    out_type=jax.ShapeDtypeStruct((N, D), jnp.float32),
    mesh=_sc_mesh,
    scratch_types=[
        pltpu.VMEM((EPT,), jnp.int32),
        pltpu.VMEM((DBLK, CHUNK), jnp.int32),
        pltpu.VMEM((NBUF, CHUNK, H), jnp.float32),
        pltpu.VMEM_SHARED((NPAD, H), jnp.float32),
        pltpu.SemaphoreType.DMA((NBUF,)),
    ],
)
def _sc_segment_sum(ft_hbm, srcoff_hbm, dst_hbm, binit_hbm, out_hbm,
                    sidx, didx, rows, acc, gsem):
    c = lax.axis_index("c")
    s = lax.axis_index("s")

    pltpu.sync_copy(srcoff_hbm.at[pl.ds(c * EPAD + s * EPT, EPT)], sidx)
    pltpu.sync_copy(binit_hbm.at[c, pl.ds(s * RPT, RPT)],
                    acc.at[pl.ds(s * RPT, RPT)])
    plsc.subcore_barrier()

    def gather(i, b):
        return pltpu.make_async_copy(
            ft_hbm.at[sidx.at[pl.ds(i * CHUNK, CHUNK)]], rows.at[b], gsem.at[b])

    def scatter_add(j, b):
        pltpu.sync_copy(rows.at[b], acc.at[didx.at[j]], add=True)

    for b in range(NBUF):
        gather(b, b).start()

    for kb in range(NCH // DBLK):
        pltpu.sync_copy(dst_hbm.at[pl.ds(s * NCH + kb * DBLK, DBLK)], didx)
        last = kb == NCH // DBLK - 1
        hi = DBLK - NBUF if last else DBLK

        @pl.loop(0, hi, step=NBUF)
        def _(cb):
            for b in range(NBUF):
                i = kb * DBLK + cb + b
                gather(i, b).wait()
                scatter_add(cb + b, b)
                gather(i + NBUF, b).start()

        if last:
            for b in range(NBUF):
                gather(NCH - NBUF + b, b).wait()
                scatter_add(DBLK - NBUF + b, b)

    plsc.subcore_barrier()

    @pl.when(s < NS - 1)
    def _():
        pltpu.sync_copy(acc.at[pl.ds(s * RPT, RPT)],
                        out_hbm.at[pl.ds(s * RPT, RPT), pl.ds(c * H, H)])

    @pl.when(s == NS - 1)
    def _():
        pltpu.sync_copy(acc.at[pl.ds((NS - 1) * RPT, N - (NS - 1) * RPT)],
                        out_hbm.at[pl.ds((NS - 1) * RPT, N - (NS - 1) * RPT),
                                   pl.ds(c * H, H)])


def kernel(feature, edge_index, W, b):
    src = edge_index[0].astype(jnp.int32)
    dst = edge_index[1].astype(jnp.int32)
    pad = EPAD - E
    src_p = jnp.concatenate([src, jnp.zeros((pad,), jnp.int32)])
    dst_p = jnp.concatenate([dst, jnp.full((pad,), N, jnp.int32)])
    srcoff = jnp.concatenate([src_p, src_p + N])
    dst2 = dst_p.reshape(EPAD // CHUNK, CHUNK)
    Wr = W.reshape(NC, H, D)
    binit = jnp.broadcast_to(b.reshape(NC, 1, H), (NC, NPAD, H))
    ft = _tc_matmul(feature, Wr).reshape(NC * N, H)
    return _sc_segment_sum(ft, srcoff, dst2, binit)

# --- scband reference (transcript-rebuilt; emitter-appended) ---
"""Pipeline reference for scband-custom-gcnlayer-only-nfeat-sum-msg-16492674417024 (READ-ONLY COPY).

The authoritative reference and input builder live on the scoring server;
editing this copy changes nothing except your own understanding.
"""

import jax, jax.numpy as jnp
import numpy as np

N_NODES = 10000
N_EDGES = 160000
D_IN = 256
D_OUT = 256


def setup_inputs(seed: int = 0) -> dict:
    key = jax.random.key(seed)
    k1, k2, k3, k4 = jax.random.split(key, 4)
    feature = jax.random.normal(k1, (N_NODES, D_IN), dtype=jnp.float32)
    edge_index = jax.random.randint(k2, (2, N_EDGES), 0, N_NODES, dtype=jnp.int64)
    # Linear layer params (PyTorch nn.Linear: out = x @ W.T + b)
    bound = 1.0 / np.sqrt(D_IN)
    W = jax.random.uniform(k3, (D_OUT, D_IN), dtype=jnp.float32, minval=-bound, maxval=bound)
    b = jax.random.uniform(k4, (D_OUT,), dtype=jnp.float32, minval=-bound, maxval=bound)
    return {"feature": feature, "edge_index": edge_index, "W": W, "b": b}


def reference(feature, edge_index, W, b):
    # DGL: g.update_all(fn.copy_u('h','m'), fn.sum('m','h'))
    # copy_u: message = source node feature; sum: scatter-add to destination nodes
    src = edge_index[0]
    dst = edge_index[1]
    messages = jnp.take(feature, src, axis=0)  # gather: [E, D_IN]
    h = jax.ops.segment_sum(messages, dst, num_segments=N_NODES)  # scatter-add: [N, D_IN]
    out = h @ W.T + b  # nn.Linear
    return out

if __name__ == "__main__":
    import jax
    _d = setup_inputs()
    print(jax.jit(kernel)(*tuple(_d.values())))

</pallas_src>

<mosaic_0001>
#map = affine_map<(d0, d1) -> (0, 0)>
#map1 = affine_map<(d0, d1) -> (0)>
#map2 = affine_map<(d0, d1) -> (0, 0, 0)>
module attributes {stable_mosaic.version = 14 : i64} {
  func.func @_sc_segment_sum(%arg0: i32, %arg1: i32, %arg2: memref<20000x128xf32, #tpu.memory_space<hbm>>, %arg3: memref<327680xi32, #tpu.memory_space<hbm>>, %arg4: memref<1280x128xi32, #tpu.memory_space<hbm>>, %arg5: memref<2x10240x128xf32, #tpu.memory_space<hbm>>, %arg6: memref<10000x256xf32, #tpu.memory_space<hbm>>, %arg7: memref<10240xi32, #tpu.memory_space<vmem>>, %arg8: memref<40x128xi32, #tpu.memory_space<vmem>>, %arg9: memref<2x128x128xf32, #tpu.memory_space<vmem>>, %arg10: memref<10240x128xf32, #tpu.memory_space<vmem_shared>>, %arg11: memref<2x!tpu.dma_semaphore, #tpu.memory_space<semaphore_mem>>) attributes {dimension_semantics = [#tpu.dimension_semantics<core_parallel>, #tpu.dimension_semantics<subcore_parallel>], iteration_bounds = array<i64: 2, 16>, scalar_prefetch = 0 : i64, scratch_operands = 5 : i64, tpu.core_type = #tpu.core_type<sc_vector_subcore>, window_params = [{transform_indices = #map}, {transform_indices = #map1}, {transform_indices = #map}, {transform_indices = #map2}, {transform_indices = #map}]} {
    %mul3A = arith.constant 163840 : i32
    %mul3A_0 = arith.muli %arg0, %mul3A : i32
    %mul3A_1 = arith.constant 10240 : i32
    %mul3A_2 = arith.muli %arg1, %mul3A_1 : i32
    %add3A = arith.addi %mul3A_0, %mul3A_2 : i32
    "tpu.region"() ({
      %run_scoped3A_84 = tpu.sem_alloc : memref<!tpu.dma_semaphore, #tpu.memory_space<semaphore_mem>>
      %dma_start3A_85 = tpu.memref_slice %arg3[%add3A] : memref<327680xi32, #tpu.memory_space<hbm>> -> memref<10240xi32, #tpu.memory_space<hbm>>
      %dma_start3A_86 = tpu.memref_slice %arg3[%add3A] : memref<327680xi32, #tpu.memory_space<hbm>> -> memref<10240xi32, #tpu.memory_space<hbm>>
      tpu.enqueue_dma source(%dma_start3A_86 : memref<10240xi32, #tpu.memory_space<hbm>>) target(%arg7 : memref<10240xi32, #tpu.memory_space<vmem>>) target_semaphore(%run_scoped3A_84 : memref<!tpu.dma_semaphore, #tpu.memory_space<semaphore_mem>>)
      %dma_wait3A_87 = tpu.memref_slice %arg3[%add3A] : memref<327680xi32, #tpu.memory_space<hbm>> -> memref<10240xi32, #tpu.memory_space<hbm>>
      %dma_wait3A_88 = tpu.memref_slice %arg3[%add3A] : memref<327680xi32, #tpu.memory_space<hbm>> -> memref<10240xi32, #tpu.memory_space<hbm>>
      tpu.wait_dma2 semaphore(%run_scoped3A_84 : memref<!tpu.dma_semaphore, #tpu.memory_space<semaphore_mem>>) src(%dma_wait3A_88 : memref<10240xi32, #tpu.memory_space<hbm>>) dst(%arg7 : memref<10240xi32, #tpu.memory_space<vmem>>)
      tpu.yield
    }) : () -> ()
    %mul3A_3 = arith.constant 640 : i32
    %mul3A_4 = arith.muli %arg1, %mul3A_3 : i32
    %mul3A_5 = arith.constant 640 : i32
    %mul3A_6 = arith.muli %arg1, %mul3A_5 : i32
    "tpu.region"() ({
      %run_scoped3A_84 = tpu.sem_alloc : memref<!tpu.dma_semaphore, #tpu.memory_space<semaphore_mem>>
      %dma_start3A_85 = arith.constant 0 : i32
      %dma_start3A_86 = tpu.memref_slice %arg10[%mul3A_6, %dma_start3A_85] : memref<10240x128xf32, #tpu.memory_space<vmem_shared>> -> memref<640x128xf32, #tpu.memory_space<vmem_shared>>
      %dma_start3A_87 = arith.constant 0 : i32
      %dma_start3A_88 = tpu.memref_slice %arg5[%arg0, %mul3A_4, %dma_start3A_87] : memref<2x10240x128xf32, #tpu.memory_space<hbm>> -> memref<1x640x128xf32, #tpu.memory_space<hbm>>
      %dma_start3A_89 = tpu.memref_squeeze %dma_start3A_88 : memref<1x640x128xf32, #tpu.memory_space<hbm>> -> memref<640x128xf32, #tpu.memory_space<hbm>>
      tpu.enqueue_dma source(%dma_start3A_89 : memref<640x128xf32, #tpu.memory_space<hbm>>) target(%dma_start3A_86 : memref<640x128xf32, #tpu.memory_space<vmem_shared>>) target_semaphore(%run_scoped3A_84 : memref<!tpu.dma_semaphore, #tpu.memory_space<semaphore_mem>>)
      %dma_wait3A_90 = arith.constant 0 : i32
      %dma_wait3A_91 = tpu.memref_slice %arg10[%mul3A_6, %dma_wait3A_90] : memref<10240x128xf32, #tpu.memory_space<vmem_shared>> -> memref<640x128xf32, #tpu.memory_space<vmem_shared>>
      %dma_wait3A_92 = arith.constant 0 : i32
      %dma_wait3A_93 = tpu.memref_slice %arg5[%arg0, %mul3A_4, %dma_wait3A_92] : memref<2x10240x128xf32, #tpu.memory_space<hbm>> -> memref<1x640x128xf32, #tpu.memory_space<hbm>>
      %dma_wait3A_94 = tpu.memref_squeeze %dma_wait3A_93 : memref<1x640x128xf32, #tpu.memory_space<hbm>> -> memref<640x128xf32, #tpu.memory_space<hbm>>
      tpu.wait_dma2 semaphore(%run_scoped3A_84 : memref<!tpu.dma_semaphore, #tpu.memory_space<semaphore_mem>>) src(%dma_wait3A_94 : memref<640x128xf32, #tpu.memory_space<hbm>>) dst(%dma_wait3A_91 : memref<640x128xf32, #tpu.memory_space<vmem_shared>>)
      tpu.yield
    }) : () -> ()
    %barrier3A = arith.constant 0 : index
    tpu.barrier barrier_id(%barrier3A)
    %dma_start3A = arith.constant 0 : i32
    %dma_start3A_7 = arith.constant 0 : i32
    %dma_start3A_8 = arith.constant 0 : i32
    %dma_start3A_9 = arith.constant 0 : i32
    %dma_start3A_10 = tpu.memref_slice %arg9[%dma_start3A, %dma_start3A_8, %dma_start3A_9] : memref<2x128x128xf32, #tpu.memory_space<vmem>> -> memref<1x128x128xf32, #tpu.memory_space<vmem>>
    %dma_start3A_11 = tpu.memref_squeeze %dma_start3A_10 : memref<1x128x128xf32, #tpu.memory_space<vmem>> -> memref<128x128xf32, #tpu.memory_space<vmem>>
    %dma_start3A_12 = arith.constant 0 : i32
    %dma_start3A_13 = tpu.memref_slice %arg7[%dma_start3A_12] : memref<10240xi32, #tpu.memory_space<vmem>> -> memref<128xi32, #tpu.memory_space<vmem>>
    %dma_start3A_14 = arith.constant 0 : i32
    %dma_start3A_15 = arith.constant 0 : i32
    %dma_start3A_16 = tpu.memref_slice %arg2[%dma_start3A_14, %dma_start3A_15] : memref<20000x128xf32, #tpu.memory_space<hbm>> -> memref<20000x128xf32, #tpu.memory_space<hbm>>
    %dma_start3A_17 = tpu.memref_slice %arg11[%dma_start3A_7] : memref<2x!tpu.dma_semaphore, #tpu.memory_space<semaphore_mem>> -> memref<1x!tpu.dma_semaphore, #tpu.memory_space<semaphore_mem>>
    %dma_start3A_18 = tpu.memref_squeeze %dma_start3A_17 : memref<1x!tpu.dma_semaphore, #tpu.memory_space<semaphore_mem>> -> memref<!tpu.dma_semaphore, #tpu.memory_space<semaphore_mem>>
    tpu.enqueue_indirect_dma source(%dma_start3A_16 : memref<20000x128xf32, #tpu.memory_space<hbm>>) target(%dma_start3A_11 : memref<128x128xf32, #tpu.memory_space<vmem>>) offsets(%dma_start3A_13 : memref<128xi32, #tpu.memory_space<vmem>>) semaphore(%dma_start3A_18 : memref<!tpu.dma_semaphore, #tpu.memory_space<semaphore_mem>>)
    %dma_start3A_19 = arith.constant 1 : i32
    %dma_start3A_20 = arith.constant 1 : i32
    %dma_start3A_21 = arith.constant 0 : i32
    %dma_start3A_22 = arith.constant 0 : i32
    %dma_start3A_23 = tpu.memref_slice %arg9[%dma_start3A_19, %dma_start3A_21, %dma_start3A_22] : memref<2x128x128xf32, #tpu.memory_space<vmem>> -> memref<1x128x128xf32, #tpu.memory_space<vmem>>
    %dma_start3A_24 = tpu.memref_squeeze %dma_start3A_23 : memref<1x128x128xf32, #tpu.memory_space<vmem>> -> memref<128x128xf32, #tpu.memory_space<vmem>>
    %dma_start3A_25 = arith.constant 128 : i32
    %dma_start3A_26 = tpu.memref_slice %arg7[%dma_start3A_25] : memref<10240xi32, #tpu.memory_space<vmem>> -> memref<128xi32, #tpu.memory_space<vmem>>
    %dma_start3A_27 = arith.constant 0 : i32
    %dma_start3A_28 = arith.constant 0 : i32
    %dma_start3A_29 = tpu.memref_slice %arg2[%dma_start3A_27, %dma_start3A_28] : memref<20000x128xf32, #tpu.memory_space<hbm>> -> memref<20000x128xf32, #tpu.memory_space<hbm>>
    %dma_start3A_30 = tpu.memref_slice %arg11[%dma_start3A_20] : memref<2x!tpu.dma_semaphore, #tpu.memory_space<semaphore_mem>> -> memref<1x!tpu.dma_semaphore, #tpu.memory_space<semaphore_mem>>
    %dma_start3A_31 = tpu.memref_squeeze %dma_start3A_30 : memref<1x!tpu.dma_semaphore, #tpu.memory_space<semaphore_mem>> -> memref<!tpu.dma_semaphore, #tpu.memory_space<semaphore_mem>>
    tpu.enqueue_indirect_dma source(%dma_start3A_29 : memref<20000x128xf32, #tpu.memory_space<hbm>>) target(%dma_start3A_24 : memref<128x128xf32, #tpu.memory_space<vmem>>) offsets(%dma_start3A_26 : memref<128xi32, #tpu.memory_space<vmem>>) semaphore(%dma_start3A_31 : memref<!tpu.dma_semaphore, #tpu.memory_space<semaphore_mem>>)
    %mul3A_32 = arith.constant 80 : i32
    %mul3A_33 = arith.muli %arg1, %mul3A_32 : i32
    %add3A_34 = arith.constant 0 : i32
    %add3A_35 = arith.addi %mul3A_33, %add3A_34 : i32
    "tpu.region"() ({
      %run_scoped3A_84 = tpu.sem_alloc : memref<!tpu.dma_semaphore, #tpu.memory_space<semaphore_mem>>
      %dma_start3A_85 = arith.constant 0 : i32
      %dma_start3A_86 = tpu.memref_slice %arg4[%add3A_35, %dma_start3A_85] : memref<1280x128xi32, #tpu.memory_space<hbm>> -> memref<40x128xi32, #tpu.memory_space<hbm>>
      %dma_start3A_87 = arith.constant 0 : i32
      %dma_start3A_88 = tpu.memref_slice %arg4[%add3A_35, %dma_start3A_87] : memref<1280x128xi32, #tpu.memory_space<hbm>> -> memref<40x128xi32, #tpu.memory_space<hbm>>
      tpu.enqueue_dma source(%dma_start3A_88 : memref<40x128xi32, #tpu.memory_space<hbm>>) target(%arg8 : memref<40x128xi32, #tpu.memory_space<vmem>>) target_semaphore(%run_scoped3A_84 : memref<!tpu.dma_semaphore, #tpu.memory_space<semaphore_mem>>)
      %dma_wait3A_89 = arith.constant 0 : i32
      %dma_wait3A_90 = tpu.memref_slice %arg4[%add3A_35, %dma_wait3A_89] : memref<1280x128xi32, #tpu.memory_space<hbm>> -> memref<40x128xi32, #tpu.memory_space<hbm>>
      %dma_wait3A_91 = arith.constant 0 : i32
      %dma_wait3A_92 = tpu.memref_slice %arg4[%add3A_35, %dma_wait3A_91] : memref<1280x128xi32, #tpu.memory_space<hbm>> -> memref<40x128xi32, #tpu.memory_space<hbm>>
      tpu.wait_dma2 semaphore(%run_scoped3A_84 : memref<!tpu.dma_semaphore, #tpu.memory_space<semaphore_mem>>) src(%dma_wait3A_92 : memref<40x128xi32, #tpu.memory_space<hbm>>) dst(%arg8 : memref<40x128xi32, #tpu.memory_space<vmem>>)
      tpu.yield
    }) : () -> ()
    %scan3A = arith.constant 0 : i32
    %scan3A_36 = arith.constant 20 : i32
    %scan3A_37 = arith.addi %scan3A, %scan3A_36 : i32
    %scan3A_38 = arith.constant 1 : i32
    scf.for %scan3A_84 = %scan3A to %scan3A_37 step %scan3A_38  : i32 {
      %mul3A_85 = arith.constant 2 : i32
      %mul3A_86 = arith.muli %scan3A_84, %mul3A_85 : i32
      %add3A_87 = arith.constant 0 : i32
      %add3A_88 = arith.addi %add3A_87, %mul3A_86 : i32
      %add3A_89 = arith.constant 0 : i32
      %add3A_90 = arith.addi %add3A_89, %add3A_88 : i32
      %add3A_91 = arith.constant 0 : i32
      %add3A_92 = arith.addi %add3A_90, %add3A_91 : i32
      %mul3A_93 = arith.constant 128 : i32
      %mul3A_94 = arith.muli %add3A_92, %mul3A_93 : i32
      %dma_wait3A_95 = arith.constant 0 : i32
      %dma_wait3A_96 = arith.constant 0 : i32
      %dma_wait3A_97 = arith.constant 0 : i32
      %dma_wait3A_98 = arith.constant 0 : i32
      %dma_wait3A_99 = tpu.memref_slice %arg9[%dma_wait3A_95, %dma_wait3A_97, %dma_wait3A_98] : memref<2x128x128xf32, #tpu.memory_space<vmem>> -> memref<1x128x128xf32, #tpu.memory_space<vmem>>
      %dma_wait3A_100 = tpu.memref_squeeze %dma_wait3A_99 : memref<1x128x128xf32, #tpu.memory_space<vmem>> -> memref<128x128xf32, #tpu.memory_space<vmem>>
      %dma_wait3A_101 = tpu.memref_slice %arg7[%mul3A_94] : memref<10240xi32, #tpu.memory_space<vmem>> -> memref<128xi32, #tpu.memory_space<vmem>>
      %dma_wait3A_102 = arith.constant 0 : i32
      %dma_wait3A_103 = arith.constant 0 : i32
      %dma_wait3A_104 = tpu.memref_slice %arg2[%dma_wait3A_102, %dma_wait3A_103] : memref<20000x128xf32, #tpu.memory_space<hbm>> -> memref<20000x128xf32, #tpu.memory_space<hbm>>
      %dma_wait3A_105 = tpu.memref_slice %arg11[%dma_wait3A_96] : memref<2x!tpu.dma_semaphore, #tpu.memory_space<semaphore_mem>> -> memref<1x!tpu.dma_semaphore, #tpu.memory_space<semaphore_mem>>
      %dma_wait3A_106 = tpu.memref_squeeze %dma_wait3A_105 : memref<1x!tpu.dma_semaphore, #tpu.memory_space<semaphore_mem>> -> memref<!tpu.dma_semaphore, #tpu.memory_space<semaphore_mem>>
      tpu.wait_indirect_dma semaphore(%dma_wait3A_106 : memref<!tpu.dma_semaphore, #tpu.memory_space<semaphore_mem>>) src(%dma_wait3A_104 : memref<20000x128xf32, #tpu.memory_space<hbm>>) dst(%dma_wait3A_100 : memref<128x128xf32, #tpu.memory_space<vmem>>)
      %add3A_107 = arith.constant 0 : i32
      %add3A_108 = arith.addi %add3A_88, %add3A_107 : i32
      %run_scoped3A_109 = arith.constant 0 : i32
      "tpu.region"() ({
        %run_scoped3A_163 = tpu.sem_alloc : memref<!tpu.dma_semaphore, #tpu.memory_space<semaphore_mem>>
        %dma_start3A_164 = arith.constant 0 : i32
        %dma_start3A_165 = arith.constant 0 : i32
        %dma_start3A_166 = tpu.memref_slice %arg9[%run_scoped3A_109, %dma_start3A_164, %dma_start3A_165] : memref<2x128x128xf32, #tpu.memory_space<vmem>> -> memref<1x128x128xf32, #tpu.memory_space<vmem>>
        %dma_start3A_167 = tpu.memref_squeeze %dma_start3A_166 : memref<1x128x128xf32, #tpu.memory_space<vmem>> -> memref<128x128xf32, #tpu.memory_space<vmem>>
        %dma_start3A_168 = arith.constant 0 : i32
        %dma_start3A_169 = tpu.memref_slice %arg8[%add3A_108, %dma_start3A_168] : memref<40x128xi32, #tpu.memory_space<vmem>> -> memref<1x128xi32, #tpu.memory_space<vmem>>
        %dma_start3A_170 = tpu.memref_squeeze %dma_start3A_169 : memref<1x128xi32, #tpu.memory_space<vmem>> -> memref<128xi32, #tpu.memory_space<vmem>>
        %dma_start3A_171 = arith.constant 0 : i32
        %dma_start3A_172 = arith.constant 0 : i32
        %dma_start3A_173 = tpu.memref_slice %arg10[%dma_start3A_171, %dma_start3A_172] : memref<10240x128xf32, #tpu.memory_space<vmem_shared>> -> memref<10240x128xf32, #tpu.memory_space<vmem_shared>>
        tpu.enqueue_indirect_dma source(%dma_start3A_167 : memref<128x128xf32, #tpu.memory_space<vmem>>) target(%dma_start3A_173 : memref<10240x128xf32, #tpu.memory_space<vmem_shared>>) offsets(%dma_start3A_170 : memref<128xi32, #tpu.memory_space<vmem>>) semaphore(%run_scoped3A_163 : memref<!tpu.dma_semaphore, #tpu.memory_space<semaphore_mem>>) {add = true}
        %dma_wait3A_174 = arith.constant 0 : i32
        %dma_wait3A_175 = arith.constant 0 : i32
        %dma_wait3A_176 = tpu.memref_slice %arg9[%run_scoped3A_109, %dma_wait3A_174, %dma_wait3A_175] : memref<2x128x128xf32, #tpu.memory_space<vmem>> -> memref<1x128x128xf32, #tpu.memory_space<vmem>>
        %dma_wait3A_177 = tpu.memref_squeeze %dma_wait3A_176 : memref<1x128x128xf32, #tpu.memory_space<vmem>> -> memref<128x128xf32, #tpu.memory_space<vmem>>
        %dma_wait3A_178 = arith.constant 0 : i32
        %dma_wait3A_179 = tpu.memref_slice %arg8[%add3A_108, %dma_wait3A_178] : memref<40x128xi32, #tpu.memory_space<vmem>> -> memref<1x128xi32, #tpu.memory_space<vmem>>
        %dma_wait3A_180 = tpu.memref_squeeze %dma_wait3A_179 : memref<1x128xi32, #tpu.memory_space<vmem>> -> memref<128xi32, #tpu.memory_space<vmem>>
        %dma_wait3A_181 = arith.constant 0 : i32
        %dma_wait3A_182 = arith.constant 0 : i32
        %dma_wait3A_183 = tpu.memref_slice %arg10[%dma_wait3A_181, %dma_wait3A_182] : memref<10240x128xf32, #tpu.memory_space<vmem_shared>> -> memref<10240x128xf32, #tpu.memory_space<vmem_shared>>
        tpu.wait_indirect_dma semaphore(%run_scoped3A_163 : memref<!tpu.dma_semaphore, #tpu.memory_space<semaphore_mem>>) src(%dma_wait3A_177 : memref<128x128xf32, #tpu.memory_space<vmem>>) dst(%dma_wait3A_183 : memref<10240x128xf32, #tpu.memory_space<vmem_shared>>)
        tpu.yield
      }) : () -> ()
      %add3A_110 = arith.constant 2 : i32
      %add3A_111 = arith.addi %add3A_92, %add3A_110 : i32
      %mul3A_112 = arith.constant 128 : i32
      %mul3A_113 = arith.muli %add3A_111, %mul3A_112 : i32
      %dma_start3A_114 = arith.constant 0 : i32
      %dma_start3A_115 = arith.constant 0 : i32
      %dma_start3A_116 = arith.constant 0 : i32
      %dma_start3A_117 = arith.constant 0 : i32
      %dma_start3A_118 = tpu.memref_slice %arg9[%dma_start3A_114, %dma_start3A_116, %dma_start3A_117] : memref<2x128x128xf32, #tpu.memory_space<vmem>> -> memref<1x128x128xf32, #tpu.memory_space<vmem>>
      %dma_start3A_119 = tpu.memref_squeeze %dma_start3A_118 : memref<1x128x128xf32, #tpu.memory_space<vmem>> -> memref<128x128xf32, #tpu.memory_space<vmem>>
      %dma_start3A_120 = tpu.memref_slice %arg7[%mul3A_113] : memref<10240xi32, #tpu.memory_space<vmem>> -> memref<128xi32, #tpu.memory_space<vmem>>
      %dma_start3A_121 = arith.constant 0 : i32
      %dma_start3A_122 = arith.constant 0 : i32
      %dma_start3A_123 = tpu.memref_slice %arg2[%dma_start3A_121, %dma_start3A_122] : memref<20000x128xf32, #tpu.memory_space<hbm>> -> memref<20000x128xf32, #tpu.memory_space<hbm>>
      %dma_start3A_124 = tpu.memref_slice %arg11[%dma_start3A_115] : memref<2x!tpu.dma_semaphore, #tpu.memory_space<semaphore_mem>> -> memref<1x!tpu.dma_semaphore, #tpu.memory_space<semaphore_mem>>
      %dma_start3A_125 = tpu.memref_squeeze %dma_start3A_124 : memref<1x!tpu.dma_semaphore, #tpu.memory_space<semaphore_mem>> -> memref<!tpu.dma_semaphore, #tpu.memory_space<semaphore_mem>>
      tpu.enqueue_indirect_dma source(%dma_start3A_123 : memref<20000x128xf32, #tpu.memory_space<hbm>>) target(%dma_start3A_119 : memref<128x128xf32, #tpu.memory_space<vmem>>) offsets(%dma_start3A_120 : memref<128xi32, #tpu.memory_space<vmem>>) semaphore(%dma_start3A_125 : memref<!tpu.dma_semaphore, #tpu.memory_space<semaphore_mem>>)
      %add3A_126 = arith.constant 0 : i32
      %add3A_127 = arith.addi %add3A_126, %add3A_88 : i32
      %add3A_128 = arith.constant 1 : i32
      %add3A_129 = arith.addi %add3A_127, %add3A_128 : i32
      %mul3A_130 = arith.constant 128 : i32
      %mul3A_131 = arith.muli %add3A_129, %mul3A_130 : i32
      %dma_wait3A_132 = arith.constant 1 : i32
      %dma_wait3A_133 = arith.constant 1 : i32
      %dma_wait3A_134 = arith.constant 0 : i32
      %dma_wait3A_135 = arith.constant 0 : i32
      %dma_wait3A_136 = tpu.memref_slice %arg9[%dma_wait3A_132, %dma_wait3A_134, %dma_wait3A_135] : memref<2x128x128xf32, #tpu.memory_space<vmem>> -> memref<1x128x128xf32, #tpu.memory_space<vmem>>
      %dma_wait3A_137 = tpu.memref_squeeze %dma_wait3A_136 : memref<1x128x128xf32, #tpu.memory_space<vmem>> -> memref<128x128xf32, #tpu.memory_space<vmem>>
      %dma_wait3A_138 = tpu.memref_slice %arg7[%mul3A_131] : memref<10240xi32, #tpu.memory_space<vmem>> -> memref<128xi32, #tpu.memory_space<vmem>>
      %dma_wait3A_139 = arith.constant 0 : i32
      %dma_wait3A_140 = arith.constant 0 : i32
      %dma_wait3A_141 = tpu.memref_slice %arg2[%dma_wait3A_139, %dma_wait3A_140] : memref<20000x128xf32, #tpu.memory_space<hbm>> -> memref<20000x128xf32, #tpu.memory_space<hbm>>
      %dma_wait3A_142 = tpu.memref_slice %arg11[%dma_wait3A_133] : memref<2x!tpu.dma_semaphore, #tpu.memory_space<semaphore_mem>> -> memref<1x!tpu.dma_semaphore, #tpu.memory_space<semaphore_mem>>
      %dma_wait3A_143 = tpu.memref_squeeze %dma_wait3A_142 : memref<1x!tpu.dma_semaphore, #tpu.memory_space<semaphore_mem>> -> memref<!tpu.dma_semaphore, #tpu.memory_space<semaphore_mem>>
      tpu.wait_indirect_dma semaphore(%dma_wait3A_143 : memref<!tpu.dma_semaphore, #tpu.memory_space<semaphore_mem>>) src(%dma_wait3A_141 : memref<20000x128xf32, #tpu.memory_space<hbm>>) dst(%dma_wait3A_137 : memref<128x128xf32, #tpu.memory_space<vmem>>)
      %add3A_144 = arith.constant 1 : i32
      %add3A_145 = arith.addi %add3A_88, %add3A_144 : i32
      %run_scoped3A_146 = arith.constant 1 : i32
      "tpu.region"() ({
        %run_scoped3A_163 = tpu.sem_alloc : memref<!tpu.dma_semaphore, #tpu.memory_space<semaphore_mem>>
        %dma_start3A_164 = arith.constant 0 : i32
        %dma_start3A_165 = arith.constant 0 : i32
        %dma_start3A_166 = tpu.memref_slice %arg9[%run_scoped3A_146, %dma_start3A_164, %dma_start3A_165] : memref<2x128x128xf32, #tpu.memory_space<vmem>> -> memref<1x128x128xf32, #tpu.memory_space<vmem>>
        %dma_start3A_167 = tpu.memref_squeeze %dma_start3A_166 : memref<1x128x128xf32, #tpu.memory_space<vmem>> -> memref<128x128xf32, #tpu.memory_space<vmem>>
        %dma_start3A_168 = arith.constant 0 : i32
        %dma_start3A_169 = tpu.memref_slice %arg8[%add3A_145, %dma_start3A_168] : memref<40x128xi32, #tpu.memory_space<vmem>> -> memref<1x128xi32, #tpu.memory_space<vmem>>
        %dma_start3A_170 = tpu.memref_squeeze %dma_start3A_169 : memref<1x128xi32, #tpu.memory_space<vmem>> -> memref<128xi32, #tpu.memory_space<vmem>>
        %dma_start3A_171 = arith.constant 0 : i32
        %dma_start3A_172 = arith.constant 0 : i32
        %dma_start3A_173 = tpu.memref_slice %arg10[%dma_start3A_171, %dma_start3A_172] : memref<10240x128xf32, #tpu.memory_space<vmem_shared>> -> memref<10240x128xf32, #tpu.memory_space<vmem_shared>>
        tpu.enqueue_indirect_dma source(%dma_start3A_167 : memref<128x128xf32, #tpu.memory_space<vmem>>) target(%dma_start3A_173 : memref<10240x128xf32, #tpu.memory_space<vmem_shared>>) offsets(%dma_start3A_170 : memref<128xi32, #tpu.memory_space<vmem>>) semaphore(%run_scoped3A_163 : memref<!tpu.dma_semaphore, #tpu.memory_space<semaphore_mem>>) {add = true}
        %dma_wait3A_174 = arith.constant 0 : i32
        %dma_wait3A_175 = arith.constant 0 : i32
        %dma_wait3A_176 = tpu.memref_slice %arg9[%run_scoped3A_146, %dma_wait3A_174, %dma_wait3A_175] : memref<2x128x128xf32, #tpu.memory_space<vmem>> -> memref<1x128x128xf32, #tpu.memory_space<vmem>>
        %dma_wait3A_177 = tpu.memref_squeeze %dma_wait3A_176 : memref<1x128x128xf32, #tpu.memory_space<vmem>> -> memref<128x128xf32, #tpu.memory_space<vmem>>
        %dma_wait3A_178 = arith.constant 0 : i32
        %dma_wait3A_179 = tpu.memref_slice %arg8[%add3A_145, %dma_wait3A_178] : memref<40x128xi32, #tpu.memory_space<vmem>> -> memref<1x128xi32, #tpu.memory_space<vmem>>
        %dma_wait3A_180 = tpu.memref_squeeze %dma_wait3A_179 : memref<1x128xi32, #tpu.memory_space<vmem>> -> memref<128xi32, #tpu.memory_space<vmem>>
        %dma_wait3A_181 = arith.constant 0 : i32
        %dma_wait3A_182 = arith.constant 0 : i32
        %dma_wait3A_183 = tpu.memref_slice %arg10[%dma_wait3A_181, %dma_wait3A_182] : memref<10240x128xf32, #tpu.memory_space<vmem_shared>> -> memref<10240x128xf32, #tpu.memory_space<vmem_shared>>
        tpu.wait_indirect_dma semaphore(%run_scoped3A_163 : memref<!tpu.dma_semaphore, #tpu.memory_space<semaphore_mem>>) src(%dma_wait3A_177 : memref<128x128xf32, #tpu.memory_space<vmem>>) dst(%dma_wait3A_183 : memref<10240x128xf32, #tpu.memory_space<vmem_shared>>)
        tpu.yield
      }) : () -> ()
      %add3A_147 = arith.constant 2 : i32
      %add3A_148 = arith.addi %add3A_129, %add3A_147 : i32
      %mul3A_149 = arith.constant 128 : i32
      %mul3A_150 = arith.muli %add3A_148, %mul3A_149 : i32
      %dma_start3A_151 = arith.constant 1 : i32
      %dma_start3A_152 = arith.constant 1 : i32
      %dma_start3A_153 = arith.constant 0 : i32
      %dma_start3A_154 = arith.constant 0 : i32
      %dma_start3A_155 = tpu.memref_slice %arg9[%dma_start3A_151, %dma_start3A_153, %dma_start3A_154] : memref<2x128x128xf32, #tpu.memory_space<vmem>> -> memref<1x128x128xf32, #tpu.memory_space<vmem>>
      %dma_start3A_156 = tpu.memref_squeeze %dma_start3A_155 : memref<1x128x128xf32, #tpu.memory_space<vmem>> -> memref<128x128xf32, #tpu.memory_space<vmem>>
      %dma_start3A_157 = tpu.memref_slice %arg7[%mul3A_150] : memref<10240xi32, #tpu.memory_space<vmem>> -> memref<128xi32, #tpu.memory_space<vmem>>
      %dma_start3A_158 = arith.constant 0 : i32
      %dma_start3A_159 = arith.constant 0 : i32
      %dma_start3A_160 = tpu.memref_slice %arg2[%dma_start3A_158, %dma_start3A_159] : memref<20000x128xf32, #tpu.memory_space<hbm>> -> memref<20000x128xf32, #tpu.memory_space<hbm>>
      %dma_start3A_161 = tpu.memref_slice %arg11[%dma_start3A_152] : memref<2x!tpu.dma_semaphore, #tpu.memory_space<semaphore_mem>> -> memref<1x!tpu.dma_semaphore, #tpu.memory_space<semaphore_mem>>
      %dma_start3A_162 = tpu.memref_squeeze %dma_start3A_161 : memref<1x!tpu.dma_semaphore, #tpu.memory_space<semaphore_mem>> -> memref<!tpu.dma_semaphore, #tpu.memory_space<semaphore_mem>>
      tpu.enqueue_indirect_dma source(%dma_start3A_160 : memref<20000x128xf32, #tpu.memory_space<hbm>>) target(%dma_start3A_156 : memref<128x128xf32, #tpu.memory_space<vmem>>) offsets(%dma_start3A_157 : memref<128xi32, #tpu.memory_space<vmem>>) semaphore(%dma_start3A_162 : memref<!tpu.dma_semaphore, #tpu.memory_space<semaphore_mem>>)
    }
    %scan3A_39 = arith.constant 20 : i32
    %mul3A_40 = arith.constant 80 : i32
    %mul3A_41 = arith.muli %arg1, %mul3A_40 : i32
    %add3A_42 = arith.constant 40 : i32
    %add3A_43 = arith.addi %mul3A_41, %add3A_42 : i32
    "tpu.region"() ({
      %run_scoped3A_84 = tpu.sem_alloc : memref<!tpu.dma_semaphore, #tpu.memory_space<semaphore_mem>>
      %dma_start3A_85 = arith.constant 0 : i32
      %dma_start3A_86 = tpu.memref_slice %arg4[%add3A_43, %dma_start3A_85] : memref<1280x128xi32, #tpu.memory_space<hbm>> -> memref<40x128xi32, #tpu.memory_space<hbm>>
      %dma_start3A_87 = arith.constant 0 : i32
      %dma_start3A_88 = tpu.memref_slice %arg4[%add3A_43, %dma_start3A_87] : memref<1280x128xi32, #tpu.memory_space<hbm>> -> memref<40x128xi32, #tpu.memory_space<hbm>>
      tpu.enqueue_dma source(%dma_start3A_88 : memref<40x128xi32, #tpu.memory_space<hbm>>) target(%arg8 : memref<40x128xi32, #tpu.memory_space<vmem>>) target_semaphore(%run_scoped3A_84 : memref<!tpu.dma_semaphore, #tpu.memory_space<semaphore_mem>>)
      %dma_wait3A_89 = arith.constant 0 : i32
      %dma_wait3A_90 = tpu.memref_slice %arg4[%add3A_43, %dma_wait3A_89] : memref<1280x128xi32, #tpu.memory_space<hbm>> -> memref<40x128xi32, #tpu.memory_space<hbm>>
      %dma_wait3A_91 = arith.constant 0 : i32
      %dma_wait3A_92 = tpu.memref_slice %arg4[%add3A_43, %dma_wait3A_91] : memref<1280x128xi32, #tpu.memory_space<hbm>> -> memref<40x128xi32, #tpu.memory_space<hbm>>
      tpu.wait_dma2 semaphore(%run_scoped3A_84 : memref<!tpu.dma_semaphore, #tpu.memory_space<semaphore_mem>>) src(%dma_wait3A_92 : memref<40x128xi32, #tpu.memory_space<hbm>>) dst(%arg8 : memref<40x128xi32, #tpu.memory_space<vmem>>)
      tpu.yield
    }) : () -> ()
    %scan3A_44 = arith.constant 0 : i32
    %scan3A_45 = arith.constant 19 : i32
    %scan3A_46 = arith.addi %scan3A_44, %scan3A_45 : i32
    %scan3A_47 = arith.constant 1 : i32
    scf.for %scan3A_84 = %scan3A_44 to %scan3A_46 step %scan3A_47  : i32 {
      %mul3A_85 = arith.constant 2 : i32
      %mul3A_86 = arith.muli %scan3A_84, %mul3A_85 : i32
      %add3A_87 = arith.constant 0 : i32
      %add3A_88 = arith.addi %add3A_87, %mul3A_86 : i32
      %add3A_89 = arith.constant 40 : i32
      %add3A_90 = arith.addi %add3A_89, %add3A_88 : i32
      %add3A_91 = arith.constant 0 : i32
      %add3A_92 = arith.addi %add3A_90, %add3A_91 : i32
      %mul3A_93 = arith.constant 128 : i32
      %mul3A_94 = arith.muli %add3A_92, %mul3A_93 : i32
      %dma_wait3A_95 = arith.constant 0 : i32
      %dma_wait3A_96 = arith.constant 0 : i32
      %dma_wait3A_97 = arith.constant 0 : i32
      %dma_wait3A_98 = arith.constant 0 : i32
      %dma_wait3A_99 = tpu.memref_slice %arg9[%dma_wait3A_95, %dma_wait3A_97, %dma_wait3A_98] : memref<2x128x128xf32, #tpu.memory_space<vmem>> -> memref<1x128x128xf32, #tpu.memory_space<vmem>>
      %dma_wait3A_100 = tpu.memref_squeeze %dma_wait3A_99 : memref<1x128x128xf32, #tpu.memory_space<vmem>> -> memref<128x128xf32, #tpu.memory_space<vmem>>
      %dma_wait3A_101 = tpu.memref_slice %arg7[%mul3A_94] : memref<10240xi32, #tpu.memory_space<vmem>> -> memref<128xi32, #tpu.memory_space<vmem>>
      %dma_wait3A_102 = arith.constant 0 : i32
      %dma_wait3A_103 = arith.constant 0 : i32
      %dma_wait3A_104 = tpu.memref_slice %arg2[%dma_wait3A_102, %dma_wait3A_103] : memref<20000x128xf32, #tpu.memory_space<hbm>> -> memref<20000x128xf32, #tpu.memory_space<hbm>>
      %dma_wait3A_105 = tpu.memref_slice %arg11[%dma_wait3A_96] : memref<2x!tpu.dma_semaphore, #tpu.memory_space<semaphore_mem>> -> memref<1x!tpu.dma_semaphore, #tpu.memory_space<semaphore_mem>>
      %dma_wait3A_106 = tpu.memref_squeeze %dma_wait3A_105 : memref<1x!tpu.dma_semaphore, #tpu.memory_space<semaphore_mem>> -> memref<!tpu.dma_semaphore, #tpu.memory_space<semaphore_mem>>
      tpu.wait_indirect_dma semaphore(%dma_wait3A_106 : memref<!tpu.dma_semaphore, #tpu.memory_space<semaphore_mem>>) src(%dma_wait3A_104 : memref<20000x128xf32, #tpu.memory_space<hbm>>) dst(%dma_wait3A_100 : memref<128x128xf32, #tpu.memory_space<vmem>>)
      %add3A_107 = arith.constant 0 : i32
      %add3A_108 = arith.addi %add3A_88, %add3A_107 : i32
      %run_scoped3A_109 = arith.constant 0 : i32
      "tpu.region"() ({
        %run_scoped3A_163 = tpu.sem_alloc : memref<!tpu.dma_semaphore, #tpu.memory_space<semaphore_mem>>
        %dma_start3A_164 = arith.constant 0 : i32
        %dma_start3A_165 = arith.constant 0 : i32
        %dma_start3A_166 = tpu.memref_slice %arg9[%run_scoped3A_109, %dma_start3A_164, %dma_start3A_165] : memref<2x128x128xf32, #tpu.memory_space<vmem>> -> memref<1x128x128xf32, #tpu.memory_space<vmem>>
        %dma_start3A_167 = tpu.memref_squeeze %dma_start3A_166 : memref<1x128x128xf32, #tpu.memory_space<vmem>> -> memref<128x128xf32, #tpu.memory_space<vmem>>
        %dma_start3A_168 = arith.constant 0 : i32
        %dma_start3A_169 = tpu.memref_slice %arg8[%add3A_108, %dma_start3A_168] : memref<40x128xi32, #tpu.memory_space<vmem>> -> memref<1x128xi32, #tpu.memory_space<vmem>>
        %dma_start3A_170 = tpu.memref_squeeze %dma_start3A_169 : memref<1x128xi32, #tpu.memory_space<vmem>> -> memref<128xi32, #tpu.memory_space<vmem>>
        %dma_start3A_171 = arith.constant 0 : i32
        %dma_start3A_172 = arith.constant 0 : i32
        %dma_start3A_173 = tpu.memref_slice %arg10[%dma_start3A_171, %dma_start3A_172] : memref<10240x128xf32, #tpu.memory_space<vmem_shared>> -> memref<10240x128xf32, #tpu.memory_space<vmem_shared>>
        tpu.enqueue_indirect_dma source(%dma_start3A_167 : memref<128x128xf32, #tpu.memory_space<vmem>>) target(%dma_start3A_173 : memref<10240x128xf32, #tpu.memory_space<vmem_shared>>) offsets(%dma_start3A_170 : memref<128xi32, #tpu.memory_space<vmem>>) semaphore(%run_scoped3A_163 : memref<!tpu.dma_semaphore, #tpu.memory_space<semaphore_mem>>) {add = true}
        %dma_wait3A_174 = arith.constant 0 : i32
        %dma_wait3A_175 = arith.constant 0 : i32
        %dma_wait3A_176 = tpu.memref_slice %arg9[%run_scoped3A_109, %dma_wait3A_174, %dma_wait3A_175] : memref<2x128x128xf32, #tpu.memory_space<vmem>> -> memref<1x128x128xf32, #tpu.memory_space<vmem>>
        %dma_wait3A_177 = tpu.memref_squeeze %dma_wait3A_176 : memref<1x128x128xf32, #tpu.memory_space<vmem>> -> memref<128x128xf32, #tpu.memory_space<vmem>>
        %dma_wait3A_178 = arith.constant 0 : i32
        %dma_wait3A_179 = tpu.memref_slice %arg8[%add3A_108, %dma_wait3A_178] : memref<40x128xi32, #tpu.memory_space<vmem>> -> memref<1x128xi32, #tpu.memory_space<vmem>>
        %dma_wait3A_180 = tpu.memref_squeeze %dma_wait3A_179 : memref<1x128xi32, #tpu.memory_space<vmem>> -> memref<128xi32, #tpu.memory_space<vmem>>
        %dma_wait3A_181 = arith.constant 0 : i32
        %dma_wait3A_182 = arith.constant 0 : i32
        %dma_wait3A_183 = tpu.memref_slice %arg10[%dma_wait3A_181, %dma_wait3A_182] : memref<10240x128xf32, #tpu.memory_space<vmem_shared>> -> memref<10240x128xf32, #tpu.memory_space<vmem_shared>>
        tpu.wait_indirect_dma semaphore(%run_scoped3A_163 : memref<!tpu.dma_semaphore, #tpu.memory_space<semaphore_mem>>) src(%dma_wait3A_177 : memref<128x128xf32, #tpu.memory_space<vmem>>) dst(%dma_wait3A_183 : memref<10240x128xf32, #tpu.memory_space<vmem_shared>>)
        tpu.yield
      }) : () -> ()
      %add3A_110 = arith.constant 2 : i32
      %add3A_111 = arith.addi %add3A_92, %add3A_110 : i32
      %mul3A_112 = arith.constant 128 : i32
      %mul3A_113 = arith.muli %add3A_111, %mul3A_112 : i32
      %dma_start3A_114 = arith.constant 0 : i32
      %dma_start3A_115 = arith.constant 0 : i32
      %dma_start3A_116 = arith.constant 0 : i32
      %dma_start3A_117 = arith.constant 0 : i32
      %dma_start3A_118 = tpu.memref_slice %arg9[%dma_start3A_114, %dma_start3A_116, %dma_start3A_117] : memref<2x128x128xf32, #tpu.memory_space<vmem>> -> memref<1x128x128xf32, #tpu.memory_space<vmem>>
      %dma_start3A_119 = tpu.memref_squeeze %dma_start3A_118 : memref<1x128x128xf32, #tpu.memory_space<vmem>> -> memref<128x128xf32, #tpu.memory_space<vmem>>
      %dma_start3A_120 = tpu.memref_slice %arg7[%mul3A_113] : memref<10240xi32, #tpu.memory_space<vmem>> -> memref<128xi32, #tpu.memory_space<vmem>>
      %dma_start3A_121 = arith.constant 0 : i32
      %dma_start3A_122 = arith.constant 0 : i32
      %dma_start3A_123 = tpu.memref_slice %arg2[%dma_start3A_121, %dma_start3A_122] : memref<20000x128xf32, #tpu.memory_space<hbm>> -> memref<20000x128xf32, #tpu.memory_space<hbm>>
      %dma_start3A_124 = tpu.memref_slice %arg11[%dma_start3A_115] : memref<2x!tpu.dma_semaphore, #tpu.memory_space<semaphore_mem>> -> memref<1x!tpu.dma_semaphore, #tpu.memory_space<semaphore_mem>>
      %dma_start3A_125 = tpu.memref_squeeze %dma_start3A_124 : memref<1x!tpu.dma_semaphore, #tpu.memory_space<semaphore_mem>> -> memref<!tpu.dma_semaphore, #tpu.memory_space<semaphore_mem>>
      tpu.enqueue_indirect_dma source(%dma_start3A_123 : memref<20000x128xf32, #tpu.memory_space<hbm>>) target(%dma_start3A_119 : memref<128x128xf32, #tpu.memory_space<vmem>>) offsets(%dma_start3A_120 : memref<128xi32, #tpu.memory_space<vmem>>) semaphore(%dma_start3A_125 : memref<!tpu.dma_semaphore, #tpu.memory_space<semaphore_mem>>)
      %add3A_126 = arith.constant 40 : i32
      %add3A_127 = arith.addi %add3A_126, %add3A_88 : i32
      %add3A_128 = arith.constant 1 : i32
      %add3A_129 = arith.addi %add3A_127, %add3A_128 : i32
      %mul3A_130 = arith.constant 128 : i32
      %mul3A_131 = arith.muli %add3A_129, %mul3A_130 : i32
      %dma_wait3A_132 = arith.constant 1 : i32
      %dma_wait3A_133 = arith.constant 1 : i32
      %dma_wait3A_134 = arith.constant 0 : i32
      %dma_wait3A_135 = arith.constant 0 : i32
      %dma_wait3A_136 = tpu.memref_slice %arg9[%dma_wait3A_132, %dma_wait3A_134, %dma_wait3A_135] : memref<2x128x128xf32, #tpu.memory_space<vmem>> -> memref<1x128x128xf32, #tpu.memory_space<vmem>>
      %dma_wait3A_137 = tpu.memref_squeeze %dma_wait3A_136 : memref<1x128x128xf32, #tpu.memory_space<vmem>> -> memref<128x128xf32, #tpu.memory_space<vmem>>
      %dma_wait3A_138 = tpu.memref_slice %arg7[%mul3A_131] : memref<10240xi32, #tpu.memory_space<vmem>> -> memref<128xi32, #tpu.memory_space<vmem>>
      %dma_wait3A_139 = arith.constant 0 : i32
      %dma_wait3A_140 = arith.constant 0 : i32
      %dma_wait3A_141 = tpu.memref_slice %arg2[%dma_wait3A_139, %dma_wait3A_140] : memref<20000x128xf32, #tpu.memory_space<hbm>> -> memref<20000x128xf32, #tpu.memory_space<hbm>>
      %dma_wait3A_142 = tpu.memref_slice %arg11[%dma_wait3A_133] : memref<2x!tpu.dma_semaphore, #tpu.memory_space<semaphore_mem>> -> memref<1x!tpu.dma_semaphore, #tpu.memory_space<semaphore_mem>>
      %dma_wait3A_143 = tpu.memref_squeeze %dma_wait3A_142 : memref<1x!tpu.dma_semaphore, #tpu.memory_space<semaphore_mem>> -> memref<!tpu.dma_semaphore, #tpu.memory_space<semaphore_mem>>
      tpu.wait_indirect_dma semaphore(%dma_wait3A_143 : memref<!tpu.dma_semaphore, #tpu.memory_space<semaphore_mem>>) src(%dma_wait3A_141 : memref<20000x128xf32, #tpu.memory_space<hbm>>) dst(%dma_wait3A_137 : memref<128x128xf32, #tpu.memory_space<vmem>>)
      %add3A_144 = arith.constant 1 : i32
      %add3A_145 = arith.addi %add3A_88, %add3A_144 : i32
      %run_scoped3A_146 = arith.constant 1 : i32
      "tpu.region"() ({
        %run_scoped3A_163 = tpu.sem_alloc : memref<!tpu.dma_semaphore, #tpu.memory_space<semaphore_mem>>
        %dma_start3A_164 = arith.constant 0 : i32
        %dma_start3A_165 = arith.constant 0 : i32
        %dma_start3A_166 = tpu.memref_slice %arg9[%run_scoped3A_146, %dma_start3A_164, %dma_start3A_165] : memref<2x128x128xf32, #tpu.memory_space<vmem>> -> memref<1x128x128xf32, #tpu.memory_space<vmem>>
        %dma_start3A_167 = tpu.memref_squeeze %dma_start3A_166 : memref<1x128x128xf32, #tpu.memory_space<vmem>> -> memref<128x128xf32, #tpu.memory_space<vmem>>
        %dma_start3A_168 = arith.constant 0 : i32
        %dma_start3A_169 = tpu.memref_slice %arg8[%add3A_145, %dma_start3A_168] : memref<40x128xi32, #tpu.memory_space<vmem>> -> memref<1x128xi32, #tpu.memory_space<vmem>>
        %dma_start3A_170 = tpu.memref_squeeze %dma_start3A_169 : memref<1x128xi32, #tpu.memory_space<vmem>> -> memref<128xi32, #tpu.memory_space<vmem>>
        %dma_start3A_171 = arith.constant 0 : i32
        %dma_start3A_172 = arith.constant 0 : i32
        %dma_start3A_173 = tpu.memref_slice %arg10[%dma_start3A_171, %dma_start3A_172] : memref<10240x128xf32, #tpu.memory_space<vmem_shared>> -> memref<10240x128xf32, #tpu.memory_space<vmem_shared>>
        tpu.enqueue_indirect_dma source(%dma_start3A_167 : memref<128x128xf32, #tpu.memory_space<vmem>>) target(%dma_start3A_173 : memref<10240x128xf32, #tpu.memory_space<vmem_shared>>) offsets(%dma_start3A_170 : memref<128xi32, #tpu.memory_space<vmem>>) semaphore(%run_scoped3A_163 : memref<!tpu.dma_semaphore, #tpu.memory_space<semaphore_mem>>) {add = true}
        %dma_wait3A_174 = arith.constant 0 : i32
        %dma_wait3A_175 = arith.constant 0 : i32
        %dma_wait3A_176 = tpu.memref_slice %arg9[%run_scoped3A_146, %dma_wait3A_174, %dma_wait3A_175] : memref<2x128x128xf32, #tpu.memory_space<vmem>> -> memref<1x128x128xf32, #tpu.memory_space<vmem>>
        %dma_wait3A_177 = tpu.memref_squeeze %dma_wait3A_176 : memref<1x128x128xf32, #tpu.memory_space<vmem>> -> memref<128x128xf32, #tpu.memory_space<vmem>>
        %dma_wait3A_178 = arith.constant 0 : i32
        %dma_wait3A_179 = tpu.memref_slice %arg8[%add3A_145, %dma_wait3A_178] : memref<40x128xi32, #tpu.memory_space<vmem>> -> memref<1x128xi32, #tpu.memory_space<vmem>>
        %dma_wait3A_180 = tpu.memref_squeeze %dma_wait3A_179 : memref<1x128xi32, #tpu.memory_space<vmem>> -> memref<128xi32, #tpu.memory_space<vmem>>
        %dma_wait3A_181 = arith.constant 0 : i32
        %dma_wait3A_182 = arith.constant 0 : i32
        %dma_wait3A_183 = tpu.memref_slice %arg10[%dma_wait3A_181, %dma_wait3A_182] : memref<10240x128xf32, #tpu.memory_space<vmem_shared>> -> memref<10240x128xf32, #tpu.memory_space<vmem_shared>>
        tpu.wait_indirect_dma semaphore(%run_scoped3A_163 : memref<!tpu.dma_semaphore, #tpu.memory_space<semaphore_mem>>) src(%dma_wait3A_177 : memref<128x128xf32, #tpu.memory_space<vmem>>) dst(%dma_wait3A_183 : memref<10240x128xf32, #tpu.memory_space<vmem_shared>>)
        tpu.yield
      }) : () -> ()
      %add3A_147 = arith.constant 2 : i32
      %add3A_148 = arith.addi %add3A_129, %add3A_147 : i32
      %mul3A_149 = arith.constant 128 : i32
      %mul3A_150 = arith.muli %add3A_148, %mul3A_149 : i32
      %dma_start3A_151 = arith.constant 1 : i32
      %dma_start3A_152 = arith.constant 1 : i32
      %dma_start3A_153 = arith.constant 0 : i32
      %dma_start3A_154 = arith.constant 0 : i32
      %dma_start3A_155 = tpu.memref_slice %arg9[%dma_start3A_151, %dma_start3A_153, %dma_start3A_154] : memref<2x128x128xf32, #tpu.memory_space<vmem>> -> memref<1x128x128xf32, #tpu.memory_space<vmem>>
      %dma_start3A_156 = tpu.memref_squeeze %dma_start3A_155 : memref<1x128x128xf32, #tpu.memory_space<vmem>> -> memref<128x128xf32, #tpu.memory_space<vmem>>
      %dma_start3A_157 = tpu.memref_slice %arg7[%mul3A_150] : memref<10240xi32, #tpu.memory_space<vmem>> -> memref<128xi32, #tpu.memory_space<vmem>>
      %dma_start3A_158 = arith.constant 0 : i32
      %dma_start3A_159 = arith.constant 0 : i32
      %dma_start3A_160 = tpu.memref_slice %arg2[%dma_start3A_158, %dma_start3A_159] : memref<20000x128xf32, #tpu.memory_space<hbm>> -> memref<20000x128xf32, #tpu.memory_space<hbm>>
      %dma_start3A_161 = tpu.memref_slice %arg11[%dma_start3A_152] : memref<2x!tpu.dma_semaphore, #tpu.memory_space<semaphore_mem>> -> memref<1x!tpu.dma_semaphore, #tpu.memory_space<semaphore_mem>>
      %dma_start3A_162 = tpu.memref_squeeze %dma_start3A_161 : memref<1x!tpu.dma_semaphore, #tpu.memory_space<semaphore_mem>> -> memref<!tpu.dma_semaphore, #tpu.memory_space<semaphore_mem>>
      tpu.enqueue_indirect_dma source(%dma_start3A_160 : memref<20000x128xf32, #tpu.memory_space<hbm>>) target(%dma_start3A_156 : memref<128x128xf32, #tpu.memory_space<vmem>>) offsets(%dma_start3A_157 : memref<128xi32, #tpu.memory_space<vmem>>) semaphore(%dma_start3A_162 : memref<!tpu.dma_semaphore, #tpu.memory_space<semaphore_mem>>)
    }
    %scan3A_48 = arith.constant 19 : i32
    %dma_wait3A = arith.constant 0 : i32
    %dma_wait3A_49 = arith.constant 0 : i32
    %dma_wait3A_50 = arith.constant 0 : i32
    %dma_wait3A_51 = arith.constant 0 : i32
    %dma_wait3A_52 = tpu.memref_slice %arg9[%dma_wait3A, %dma_wait3A_50, %dma_wait3A_51] : memref<2x128x128xf32, #tpu.memory_space<vmem>> -> memref<1x128x128xf32, #tpu.memory_space<vmem>>
    %dma_wait3A_53 = tpu.memref_squeeze %dma_wait3A_52 : memref<1x128x128xf32, #tpu.memory_space<vmem>> -> memref<128x128xf32, #tpu.memory_space<vmem>>
    %dma_wait3A_54 = arith.constant 9984 : i32
    %dma_wait3A_55 = tpu.memref_slice %arg7[%dma_wait3A_54] : memref<10240xi32, #tpu.memory_space<vmem>> -> memref<128xi32, #tpu.memory_space<vmem>>
    %dma_wait3A_56 = arith.constant 0 : i32
    %dma_wait3A_57 = arith.constant 0 : i32
    %dma_wait3A_58 = tpu.memref_slice %arg2[%dma_wait3A_56, %dma_wait3A_57] : memref<20000x128xf32, #tpu.memory_space<hbm>> -> memref<20000x128xf32, #tpu.memory_space<hbm>>
    %dma_wait3A_59 = tpu.memref_slice %arg11[%dma_wait3A_49] : memref<2x!tpu.dma_semaphore, #tpu.memory_space<semaphore_mem>> -> memref<1x!tpu.dma_semaphore, #tpu.memory_space<semaphore_mem>>
    %dma_wait3A_60 = tpu.memref_squeeze %dma_wait3A_59 : memref<1x!tpu.dma_semaphore, #tpu.memory_space<semaphore_mem>> -> memref<!tpu.dma_semaphore, #tpu.memory_space<semaphore_mem>>
    tpu.wait_indirect_dma semaphore(%dma_wait3A_60 : memref<!tpu.dma_semaphore, #tpu.memory_space<semaphore_mem>>) src(%dma_wait3A_58 : memref<20000x128xf32, #tpu.memory_space<hbm>>) dst(%dma_wait3A_53 : memref<128x128xf32, #tpu.memory_space<vmem>>)
    %run_scoped3A = arith.constant 0 : i32
    %run_scoped3A_61 = arith.constant 38 : i32
    "tpu.region"() ({
      %run_scoped3A_84 = tpu.sem_alloc : memref<!tpu.dma_semaphore, #tpu.memory_space<semaphore_mem>>
      %dma_start3A_85 = arith.constant 0 : i32
      %dma_start3A_86 = arith.constant 0 : i32
      %dma_start3A_87 = tpu.memref_slice %arg9[%run_scoped3A, %dma_start3A_85, %dma_start3A_86] : memref<2x128x128xf32, #tpu.memory_space<vmem>> -> memref<1x128x128xf32, #tpu.memory_space<vmem>>
      %dma_start3A_88 = tpu.memref_squeeze %dma_start3A_87 : memref<1x128x128xf32, #tpu.memory_space<vmem>> -> memref<128x128xf32, #tpu.memory_space<vmem>>
      %dma_start3A_89 = arith.constant 0 : i32
      %dma_start3A_90 = tpu.memref_slice %arg8[%run_scoped3A_61, %dma_start3A_89] : memref<40x128xi32, #tpu.memory_space<vmem>> -> memref<1x128xi32, #tpu.memory_space<vmem>>
      %dma_start3A_91 = tpu.memref_squeeze %dma_start3A_90 : memref<1x128xi32, #tpu.memory_space<vmem>> -> memref<128xi32, #tpu.memory_space<vmem>>
      %dma_start3A_92 = arith.constant 0 : i32
      %dma_start3A_93 = arith.constant 0 : i32
      %dma_start3A_94 = tpu.memref_slice %arg10[%dma_start3A_92, %dma_start3A_93] : memref<10240x128xf32, #tpu.memory_space<vmem_shared>> -> memref<10240x128xf32, #tpu.memory_space<vmem_shared>>
      tpu.enqueue_indirect_dma source(%dma_start3A_88 : memref<128x128xf32, #tpu.memory_space<vmem>>) target(%dma_start3A_94 : memref<10240x128xf32, #tpu.memory_space<vmem_shared>>) offsets(%dma_start3A_91 : memref<128xi32, #tpu.memory_space<vmem>>) semaphore(%run_scoped3A_84 : memref<!tpu.dma_semaphore, #tpu.memory_space<semaphore_mem>>) {add = true}
      %dma_wait3A_95 = arith.constant 0 : i32
      %dma_wait3A_96 = arith.constant 0 : i32
      %dma_wait3A_97 = tpu.memref_slice %arg9[%run_scoped3A, %dma_wait3A_95, %dma_wait3A_96] : memref<2x128x128xf32, #tpu.memory_space<vmem>> -> memref<1x128x128xf32, #tpu.memory_space<vmem>>
      %dma_wait3A_98 = tpu.memref_squeeze %dma_wait3A_97 : memref<1x128x128xf32, #tpu.memory_space<vmem>> -> memref<128x128xf32, #tpu.memory_space<vmem>>
      %dma_wait3A_99 = arith.constant 0 : i32
      %dma_wait3A_100 = tpu.memref_slice %arg8[%run_scoped3A_61, %dma_wait3A_99] : memref<40x128xi32, #tpu.memory_space<vmem>> -> memref<1x128xi32, #tpu.memory_space<vmem>>
      %dma_wait3A_101 = tpu.memref_squeeze %dma_wait3A_100 : memref<1x128xi32, #tpu.memory_space<vmem>> -> memref<128xi32, #tpu.memory_space<vmem>>
      %dma_wait3A_102 = arith.constant 0 : i32
      %dma_wait3A_103 = arith.constant 0 : i32
      %dma_wait3A_104 = tpu.memref_slice %arg10[%dma_wait3A_102, %dma_wait3A_103] : memref<10240x128xf32, #tpu.memory_space<vmem_shared>> -> memref<10240x128xf32, #tpu.memory_space<vmem_shared>>
      tpu.wait_indirect_dma semaphore(%run_scoped3A_84 : memref<!tpu.dma_semaphore, #tpu.memory_space<semaphore_mem>>) src(%dma_wait3A_98 : memref<128x128xf32, #tpu.memory_space<vmem>>) dst(%dma_wait3A_104 : memref<10240x128xf32, #tpu.memory_space<vmem_shared>>)
      tpu.yield
    }) : () -> ()
    %dma_wait3A_62 = arith.constant 1 : i32
    %dma_wait3A_63 = arith.constant 1 : i32
    %dma_wait3A_64 = arith.constant 0 : i32
    %dma_wait3A_65 = arith.constant 0 : i32
    %dma_wait3A_66 = tpu.memref_slice %arg9[%dma_wait3A_62, %dma_wait3A_64, %dma_wait3A_65] : memref<2x128x128xf32, #tpu.memory_space<vmem>> -> memref<1x128x128xf32, #tpu.memory_space<vmem>>
    %dma_wait3A_67 = tpu.memref_squeeze %dma_wait3A_66 : memref<1x128x128xf32, #tpu.memory_space<vmem>> -> memref<128x128xf32, #tpu.memory_space<vmem>>
    %dma_wait3A_68 = arith.constant 10112 : i32
    %dma_wait3A_69 = tpu.memref_slice %arg7[%dma_wait3A_68] : memref<10240xi32, #tpu.memory_space<vmem>> -> memref<128xi32, #tpu.memory_space<vmem>>
    %dma_wait3A_70 = arith.constant 0 : i32
    %dma_wait3A_71 = arith.constant 0 : i32
    %dma_wait3A_72 = tpu.memref_slice %arg2[%dma_wait3A_70, %dma_wait3A_71] : memref<20000x128xf32, #tpu.memory_space<hbm>> -> memref<20000x128xf32, #tpu.memory_space<hbm>>
    %dma_wait3A_73 = tpu.memref_slice %arg11[%dma_wait3A_63] : memref<2x!tpu.dma_semaphore, #tpu.memory_space<semaphore_mem>> -> memref<1x!tpu.dma_semaphore, #tpu.memory_space<semaphore_mem>>
    %dma_wait3A_74 = tpu.memref_squeeze %dma_wait3A_73 : memref<1x!tpu.dma_semaphore, #tpu.memory_space<semaphore_mem>> -> memref<!tpu.dma_semaphore, #tpu.memory_space<semaphore_mem>>
    tpu.wait_indirect_dma semaphore(%dma_wait3A_74 : memref<!tpu.dma_semaphore, #tpu.memory_space<semaphore_mem>>) src(%dma_wait3A_72 : memref<20000x128xf32, #tpu.memory_space<hbm>>) dst(%dma_wait3A_67 : memref<128x128xf32, #tpu.memory_space<vmem>>)
    %run_scoped3A_75 = arith.constant 1 : i32
    %run_scoped3A_76 = arith.constant 39 : i32
    "tpu.region"() ({
      %run_scoped3A_84 = tpu.sem_alloc : memref<!tpu.dma_semaphore, #tpu.memory_space<semaphore_mem>>
      %dma_start3A_85 = arith.constant 0 : i32
      %dma_start3A_86 = arith.constant 0 : i32
      %dma_start3A_87 = tpu.memref_slice %arg9[%run_scoped3A_75, %dma_start3A_85, %dma_start3A_86] : memref<2x128x128xf32, #tpu.memory_space<vmem>> -> memref<1x128x128xf32, #tpu.memory_space<vmem>>
      %dma_start3A_88 = tpu.memref_squeeze %dma_start3A_87 : memref<1x128x128xf32, #tpu.memory_space<vmem>> -> memref<128x128xf32, #tpu.memory_space<vmem>>
      %dma_start3A_89 = arith.constant 0 : i32
      %dma_start3A_90 = tpu.memref_slice %arg8[%run_scoped3A_76, %dma_start3A_89] : memref<40x128xi32, #tpu.memory_space<vmem>> -> memref<1x128xi32, #tpu.memory_space<vmem>>
      %dma_start3A_91 = tpu.memref_squeeze %dma_start3A_90 : memref<1x128xi32, #tpu.memory_space<vmem>> -> memref<128xi32, #tpu.memory_space<vmem>>
      %dma_start3A_92 = arith.constant 0 : i32
      %dma_start3A_93 = arith.constant 0 : i32
      %dma_start3A_94 = tpu.memref_slice %arg10[%dma_start3A_92, %dma_start3A_93] : memref<10240x128xf32, #tpu.memory_space<vmem_shared>> -> memref<10240x128xf32, #tpu.memory_space<vmem_shared>>
      tpu.enqueue_indirect_dma source(%dma_start3A_88 : memref<128x128xf32, #tpu.memory_space<vmem>>) target(%dma_start3A_94 : memref<10240x128xf32, #tpu.memory_space<vmem_shared>>) offsets(%dma_start3A_91 : memref<128xi32, #tpu.memory_space<vmem>>) semaphore(%run_scoped3A_84 : memref<!tpu.dma_semaphore, #tpu.memory_space<semaphore_mem>>) {add = true}
      %dma_wait3A_95 = arith.constant 0 : i32
      %dma_wait3A_96 = arith.constant 0 : i32
      %dma_wait3A_97 = tpu.memref_slice %arg9[%run_scoped3A_75, %dma_wait3A_95, %dma_wait3A_96] : memref<2x128x128xf32, #tpu.memory_space<vmem>> -> memref<1x128x128xf32, #tpu.memory_space<vmem>>
      %dma_wait3A_98 = tpu.memref_squeeze %dma_wait3A_97 : memref<1x128x128xf32, #tpu.memory_space<vmem>> -> memref<128x128xf32, #tpu.memory_space<vmem>>
      %dma_wait3A_99 = arith.constant 0 : i32
      %dma_wait3A_100 = tpu.memref_slice %arg8[%run_scoped3A_76, %dma_wait3A_99] : memref<40x128xi32, #tpu.memory_space<vmem>> -> memref<1x128xi32, #tpu.memory_space<vmem>>
      %dma_wait3A_101 = tpu.memref_squeeze %dma_wait3A_100 : memref<1x128xi32, #tpu.memory_space<vmem>> -> memref<128xi32, #tpu.memory_space<vmem>>
      %dma_wait3A_102 = arith.constant 0 : i32
      %dma_wait3A_103 = arith.constant 0 : i32
      %dma_wait3A_104 = tpu.memref_slice %arg10[%dma_wait3A_102, %dma_wait3A_103] : memref<10240x128xf32, #tpu.memory_space<vmem_shared>> -> memref<10240x128xf32, #tpu.memory_space<vmem_shared>>
      tpu.wait_indirect_dma semaphore(%run_scoped3A_84 : memref<!tpu.dma_semaphore, #tpu.memory_space<semaphore_mem>>) src(%dma_wait3A_98 : memref<128x128xf32, #tpu.memory_space<vmem>>) dst(%dma_wait3A_104 : memref<10240x128xf32, #tpu.memory_space<vmem_shared>>)
      tpu.yield
    }) : () -> ()
    %barrier3A_77 = arith.constant 0 : index
    tpu.barrier barrier_id(%barrier3A_77)
    %lt3A = arith.constant 15 : i32
    %lt3A_78 = arith.cmpi slt, %arg1, %lt3A : i32
    %convert_element_type3A = arith.extui %lt3A_78 : i1 to i32
    %cond3A = arith.constant 0 : i32
    %cond3A_79 = arith.cmpi ne, %convert_element_type3A, %cond3A : i32
    scf.if %cond3A_79 {
      %mul3A_84 = arith.constant 640 : i32
      %mul3A_85 = arith.muli %arg1, %mul3A_84 : i32
      %mul3A_86 = arith.constant 640 : i32
      %mul3A_87 = arith.muli %arg1, %mul3A_86 : i32
      %mul3A_88 = arith.constant 128 : i32
      %mul3A_89 = arith.muli %arg0, %mul3A_88 : i32
      "tpu.region"() ({
        %run_scoped3A_90 = tpu.sem_alloc : memref<!tpu.dma_semaphore, #tpu.memory_space<semaphore_mem>>
        %dma_start3A_91 = tpu.memref_slice %arg6[%mul3A_87, %mul3A_89] : memref<10000x256xf32, #tpu.memory_space<hbm>> -> memref<640x128xf32, #tpu.memory_space<hbm>>
        %dma_start3A_92 = arith.constant 0 : i32
        %dma_start3A_93 = tpu.memref_slice %arg10[%mul3A_85, %dma_start3A_92] : memref<10240x128xf32, #tpu.memory_space<vmem_shared>> -> memref<640x128xf32, #tpu.memory_space<vmem_shared>>
        tpu.enqueue_dma source(%dma_start3A_93 : memref<640x128xf32, #tpu.memory_space<vmem_shared>>) target(%dma_start3A_91 : memref<640x128xf32, #tpu.memory_space<hbm>>) target_semaphore(%run_scoped3A_90 : memref<!tpu.dma_semaphore, #tpu.memory_space<semaphore_mem>>)
        %dma_wait3A_94 = tpu.memref_slice %arg6[%mul3A_87, %mul3A_89] : memref<10000x256xf32, #tpu.memory_space<hbm>> -> memref<640x128xf32, #tpu.memory_space<hbm>>
        %dma_wait3A_95 = arith.constant 0 : i32
        %dma_wait3A_96 = tpu.memref_slice %arg10[%mul3A_85, %dma_wait3A_95] : memref<10240x128xf32, #tpu.memory_space<vmem_shared>> -> memref<640x128xf32, #tpu.memory_space<vmem_shared>>
        tpu.wait_dma2 semaphore(%run_scoped3A_90 : memref<!tpu.dma_semaphore, #tpu.memory_space<semaphore_mem>>) src(%dma_wait3A_96 : memref<640x128xf32, #tpu.memory_space<vmem_shared>>) dst(%dma_wait3A_94 : memref<640x128xf32, #tpu.memory_space<hbm>>)
        tpu.yield
      }) : () -> ()
    } else {
    }
    %eq3A = arith.constant 15 : i32
    %eq3A_80 = arith.cmpi eq, %arg1, %eq3A : i32
    %convert_element_type3A_81 = arith.extui %eq3A_80 : i1 to i32
    %cond3A_82 = arith.constant 0 : i32
    %cond3A_83 = arith.cmpi ne, %convert_element_type3A_81, %cond3A_82 : i32
    scf.if %cond3A_83 {
      %mul3A_84 = arith.constant 128 : i32
      %mul3A_85 = arith.muli %arg0, %mul3A_84 : i32
      "tpu.region"() ({
        %run_scoped3A_86 = tpu.sem_alloc : memref<!tpu.dma_semaphore, #tpu.memory_space<semaphore_mem>>
        %dma_start3A_87 = arith.constant 9600 : i32
        %dma_start3A_88 = tpu.memref_slice %arg6[%dma_start3A_87, %mul3A_85] : memref<10000x256xf32, #tpu.memory_space<hbm>> -> memref<400x128xf32, #tpu.memory_space<hbm>>
        %dma_start3A_89 = arith.constant 9600 : i32
        %dma_start3A_90 = arith.constant 0 : i32
        %dma_start3A_91 = tpu.memref_slice %arg10[%dma_start3A_89, %dma_start3A_90] : memref<10240x128xf32, #tpu.memory_space<vmem_shared>> -> memref<400x128xf32, #tpu.memory_space<vmem_shared>>
        tpu.enqueue_dma source(%dma_start3A_91 : memref<400x128xf32, #tpu.memory_space<vmem_shared>>) target(%dma_start3A_88 : memref<400x128xf32, #tpu.memory_space<hbm>>) target_semaphore(%run_scoped3A_86 : memref<!tpu.dma_semaphore, #tpu.memory_space<semaphore_mem>>)
        %dma_wait3A_92 = arith.constant 9600 : i32
        %dma_wait3A_93 = tpu.memref_slice %arg6[%dma_wait3A_92, %mul3A_85] : memref<10000x256xf32, #tpu.memory_space<hbm>> -> memref<400x128xf32, #tpu.memory_space<hbm>>
        %dma_wait3A_94 = arith.constant 9600 : i32
        %dma_wait3A_95 = arith.constant 0 : i32
        %dma_wait3A_96 = tpu.memref_slice %arg10[%dma_wait3A_94, %dma_wait3A_95] : memref<10240x128xf32, #tpu.memory_space<vmem_shared>> -> memref<400x128xf32, #tpu.memory_space<vmem_shared>>
        tpu.wait_dma2 semaphore(%run_scoped3A_86 : memref<!tpu.dma_semaphore, #tpu.memory_space<semaphore_mem>>) src(%dma_wait3A_96 : memref<400x128xf32, #tpu.memory_space<vmem_shared>>) dst(%dma_wait3A_93 : memref<400x128xf32, #tpu.memory_space<hbm>>)
        tpu.yield
      }) : () -> ()
    } else {
    }
    return
  }
}

module attributes {stable_mosaic.version = 14 : i64} {
  func.func @_mm_body(%arg0: i32, %arg1: i32, %arg2: memref<1000x256xf32, #tpu.memory_space<vmem>>, %arg3: memref<1x128x256xf32, #tpu.memory_space<vmem>>, %arg4: memref<1x1000x128xf32, #tpu.memory_space<vmem>>) attributes {dimension_semantics = [#tpu.dimension_semantics<arbitrary>, #tpu.dimension_semantics<arbitrary>], iteration_bounds = array<i64: 10, 2>, scalar_prefetch = 0 : i64, scratch_operands = 0 : i64, tpu.core_type = #tpu.core_type<tc>, window_params = [{transform_indices = @transform_0, window_bounds = array<i64: 1000, 256>}, {transform_indices = @transform_1, window_bounds = array<i64: 1, 128, 256>}, {transform_indices = @transform_2, window_bounds = array<i64: 1, 1000, 128>}]} {
    %get3A = arith.constant 0 : index
    %get3A_0 = arith.constant 0 : index
    %get3A_1 = vector.load %arg2[%get3A, %get3A_0] : memref<1000x256xf32, #tpu.memory_space<vmem>>, vector<1000x256xf32>
    %convert_element_type3A = arith.truncf %get3A_1 : vector<1000x256xf32> to vector<1000x256xbf16>
    %get3A_2 = arith.constant 0 : index
    %get3A_3 = arith.constant 0 : index
    %get3A_4 = arith.constant 0 : index
    %get3A_5 = vector.load %arg3[%get3A_2, %get3A_3, %get3A_4] : memref<1x128x256xf32, #tpu.memory_space<vmem>>, vector<1x128x256xf32>
    %get3A_6 = vector.shape_cast %get3A_5 : vector<1x128x256xf32> to vector<128x256xf32>
    %convert_element_type3A_7 = arith.truncf %get3A_6 : vector<128x256xf32> to vector<128x256xbf16>
    %dot_general3A = arith.constant dense<0.000000e+00> : vector<1000x128xf32>
    %dot_general3A_8 = tpu.matmul %convert_element_type3A, %convert_element_type3A_7, %dot_general3A {dimension_numbers = #tpu.dot_dimension_numbers<[1], [1], [0], [0], [0, 0, 1, 0], [], []>, transpose_lhs_hint = false} : vector<1000x256xbf16>, vector<128x256xbf16>, vector<1000x128xf32> -> vector<1000x128xf32>
    %swap3A = arith.constant 0 : index
    %swap3A_9 = arith.constant 0 : index
    %swap3A_10 = arith.constant 0 : index
    %swap3A_11 = vector.load %arg4[%swap3A, %swap3A_9, %swap3A_10] : memref<1x1000x128xf32, #tpu.memory_space<vmem>>, vector<1x1000x128xf32>
    %swap3A_12 = vector.shape_cast %swap3A_11 : vector<1x1000x128xf32> to vector<1000x128xf32>
    %swap3A_13 = vector.shape_cast %dot_general3A_8 : vector<1000x128xf32> to vector<1x1000x128xf32>
    tpu.vector_store %arg4[%swap3A, %swap3A_9, %swap3A_10], %swap3A_13 {strides = array<i32>} : memref<1x1000x128xf32, #tpu.memory_space<vmem>>, vector<1x1000x128xf32>,
    return
  }
  func.func @transform_0(%arg0: i32, %arg1: i32) -> (i32, i32) {
    %c0_i32 = arith.constant 0 : i32
    %c0_i32_0 = arith.constant 0 : i32
    return %arg0, %c0_i32 : i32, i32
  }
  func.func @transform_1(%arg0: i32, %arg1: i32) -> (i32, i32, i32) {
    %c0_i32 = arith.constant 0 : i32
    %c0_i32_0 = arith.constant 0 : i32
    %c0_i32_1 = arith.constant 0 : i32
    return %arg1, %c0_i32, %c0_i32_0 : i32, i32, i32
  }
  func.func @transform_2(%arg0: i32, %arg1: i32) -> (i32, i32, i32) {
    %c0_i32 = arith.constant 0 : i32
    %c0_i32_0 = arith.constant 0 : i32
    return %arg1, %arg0, %c0_i32 : i32, i32, i32
  }
}

</mosaic_0001>

<sc_bundles>
// kernel: kernel.4.cloned.1.call-start
scs
__scs_entry_jumppad:
0x0: {  	(pc) =	sbr.rel $0x88, $3  }
0x1: {  	(tag) =	ssettag $0x0;
	lr =	simm.s32 $0x1  }
0x2: {  	[smem:$0x3F9D] =	sst lr;
	_ =	strace $0xD0000000  }
0x3: {  	_ = 	snop  }
0x4: {  	_ = 	snop  }
0x5: {  	_ = 	snop  }
0x6: {  	_ = 	snop  }
0x7: {  	_ = 	snop  }
__scs_overlays_trampoline_lowered:
0x8: {  	[smem:$0x3FAC] =	sst s0  }
0x9: {  	[smem:$0x3FAD] =	sst s1  }
0xa: {  	[smem:$0x3FAE] =	sst s2  }
0xb: {  	[smem:$0x3FAF] =	sst s3  }
0xc: {  	[smem:$0x3FB0] =	sst s4  }
0xd: {  	[smem:$0x3FB1] =	sst s5  }
0xe: {  	[smem:$0x3FB2] =	sst s6  }
0xf: {  	[smem:$0x3FB3] =	sst s7  }
0x10: {  	[smem:$0x3FB4] =	sst s8  }
0x11: {  	[smem:$0x3FB5] =	sst s9;
	s0 =	simm.s32 @!p0 $0x0  }
0x12: {  	s1 =	sld [smem:$0x3F9B];
	s0 =	simm.s32 @p0 $0x1  }
0x13: {  	[smem:$0x3FB6] =	sst s0;
	s0 =	simm.s32 @!p1 $0x0  }
0x14: {  	s2 =	sld [smem:$0x3F9A];
	s0 =	simm.s32 @p1 $0x1  }
0x15: {  	[smem:$0x3FB7] =	sst s0;
	s0 =	simm.s32 @!p2 $0x0  }
0x16: {  	s3 =	sld [smem:$0x3FDB];
	s0 =	simm.s32 @p2 $0x1  }
0x17: {  	s4 =	simm.s32 $0x1BF5;
	[smem:$0x3FB9] =	sst s0  }
0x18: {  	s0 =	sld [smem:$0x3F9C];
	_ =	swait.ge [sflag:s4], $0x0  }
0x19: {  	s7 =	sld [smem:$0x3F9D]  }
0x1a: {  	s8 =	sadd.s32 $0xFFFFE003, lr  }
0x1b: {  	s9 =	sadd.s32 $0xFFFFFEF7, lr;
	s5 =	simm.s32 $0xFFFFFFFF;
	p2 =	slt.u32 s8, $0xFFFFF086  }
0x1c: {  	p1 =	slt.u32 s9, $0xF7A;
	s5 =	simm.s32 @!p2 $0x0  }
0x1d: {  	s5 =	simm.s32 @p1 $0x1;
	p0 =	seq.s32 s7, s2  }
0x1e: {  	s7 =	smul.u32 @!p0 $0xF7A, s2;
	p2 =	seq.s32 @!p0 s5, $0x0  }
0x1f: {  	s9 =	smul.u32 $0xF7A, s1;
	s8 =	simm.s32 @!p0 $0x1BF5;
	p2 =	por !p2, p0  }
0x20: {  	[sflag:s8] =	ssyncset.s32 @!p0 $0xFFFFF086;
	s6 =	sadd.s32 @!p0 s3, s7;
	s7 =	simm.s32 @!p0 $0x108  }
0x21: {  	s3 =	sadd.s32 s3, s9;
	s6 =	sadd.s32 @!p0 $0x88, s6;
	s7 =	simm.s32 @p2 $0x1082  }
0x22: {  	[simem:s7], [sflag:s8] =	dma.local @!p0 [hbm:s6], $0xF7A  }
0x23: {  	s9 =	sor.u32 $0xD0000000, s2;
	s6 =	simm.s32 $0x108;
	_ =	swait.ge @!p0 [sflag:s8], $0x0  }
0x24: {  	s3 =	sadd.s32 $0x88, s3;
	s6 =	simm.s32 @!p1 $0x1082;
	[sflag:s4] =	ssyncset.s32 $0xFFFFF086  }
0x25: {  	[simem:s6], [sflag:s4] =	dma.local [hbm:s3], $0xF7A  }
0x26: {  	[smem:$0x3F9D] =	sst s1;
	(tag) =	ssettag s2;
	_ =	strace s9  }
0x27: {  	s1 =	sld [smem:$0x3FAD]  }
0x28: {  	s2 =	sld [smem:$0x3FAE]  }
0x29: {  	s4 =	sld [smem:$0x3FB0]  }
0x2a: {  	p0 =	seq.s32 s5, $0x0;
	s5 =	sld [smem:$0x3FB1]  }
0x2b: {  	s6 =	sld [smem:$0x3FB2]  }
0x2c: {  	s7 =	sld [smem:$0x3FB3]  }
0x2d: {  	s3 =	simm.s32 $0x108;
	s8 =	sld [smem:$0x3FB4]  }
0x2e: {  	s3 =	simm.s32 @!p0 $0x1082;
	s9 =	sld [smem:$0x3FB5]  }
0x2f: {  	lr =	sadd.s32 s0, s3;
	s0 =	sld [smem:$0x3FAC]  }
0x30: {  	s3 =	sld [smem:$0x3FAF]  }
0x31: {  	[smem:$0x3FB8] =	sst s10  }
0x32: {  	s10 =	sld [smem:$0x3FB6];
	_ =	sdelay $0x3  }
0x33: {  	p0 =	seq.s32 s10, $0x1;
	s10 =	sld [smem:$0x3FB8];
	_ =	sdelay $0x3  }
0x34: {  	[smem:$0x3FB8] =	sst s10  }
0x35: {  	s10 =	sld [smem:$0x3FB7];
	_ =	sdelay $0x3  }
0x36: {  	p1 =	seq.s32 s10, $0x1;
	s10 =	sld [smem:$0x3FB8];
	_ =	sdelay $0x3  }
0x37: {  	[smem:$0x3FB8] =	sst s10  }
0x38: {  	s10 =	sld [smem:$0x3FB9]  }
0x39: {  	_ = 	snop;
	(pc) =	sbr.ind lr, $3  }
0x3a: {  	_ = 	snop  }
0x3b: {  	_ = 	snop  }
0x3c: {  	p2 =	seq.s32 s10, $0x1;
	s10 =	sld [smem:$0x3FB8]  }
0x3d: {  	_ =	shalt  }
0x3e: {  	_ =	shalt  }
0x3f: {  	_ =	shalt  }
0x40: {  	_ =	shalt  }
0x41: {  	_ =	shalt  }
0x42: {  	_ =	shalt  }
0x43: {  	_ =	shalt  }
0x44: {  	_ =	shalt  }
0x45: {  	_ =	shalt  }
0x46: {  	_ =	shalt  }
0x47: {  	_ =	shalt  }
0x48: {  	_ =	shalt  }
0x49: {  	_ =	shalt  }
0x4a: {  	_ =	shalt  }
0x4b: {  	_ =	shalt  }
0x4c: {  	_ =	shalt  }
0x4d: {  	_ =	shalt  }
0x4e: {  	_ =	shalt  }
0x4f: {  	_ =	shalt  }
0x50: {  	_ =	shalt  }
0x51: {  	_ =	shalt  }
0x52: {  	_ =	shalt  }
0x53: {  	_ =	shalt  }
0x54: {  	_ =	shalt  }
0x55: {  	_ =	shalt  }
0x56: {  	_ =	shalt  }
0x57: {  	_ =	shalt  }
0x58: {  	_ =	shalt  }
0x59: {  	_ =	shalt  }
0x5a: {  	_ =	shalt  }
0x5b: {  	_ =	shalt  }
0x5c: {  	_ =	shalt  }
0x5d: {  	_ =	shalt  }
0x5e: {  	_ =	shalt  }
0x5f: {  	_ =	shalt  }
0x60: {  	_ =	shalt  }
0x61: {  	_ =	shalt  }
0x62: {  	_ =	shalt  }
0x63: {  	_ =	shalt  }
0x64: {  	_ =	shalt  }
0x65: {  	_ =	shalt  }
0x66: {  	_ =	shalt  }
0x67: {  	_ =	shalt  }
0x68: {  	_ =	shalt  }
0x69: {  	_ =	shalt  }
0x6a: {  	_ =	shalt  }
0x6b: {  	_ =	shalt  }
0x6c: {  	_ =	shalt  }
0x6d: {  	_ =	shalt  }
0x6e: {  	_ =	shalt  }
0x6f: {  	_ =	shalt  }
0x70: {  	_ =	shalt  }
0x71: {  	_ =	shalt  }
0x72: {  	_ =	shalt  }
0x73: {  	_ =	shalt  }
0x74: {  	_ =	shalt  }
0x75: {  	_ =	shalt  }
0x76: {  	_ =	shalt  }
0x77: {  	_ =	shalt  }
0x78: {  	_ =	shalt  }
0x79: {  	_ =	shalt  }
0x7a: {  	_ =	shalt  }
0x7b: {  	_ =	shalt  }
0x7c: {  	_ =	shalt  }
0x7d: {  	_ =	shalt  }
0x7e: {  	_ =	shalt  }
0x7f: {  	_ =	shalt  }
0x80: {  	_ =	shalt  }
0x81: {  	_ =	shalt  }
0x82: {  	_ =	shalt  }
0x83: {  	_ =	shalt  }
0x84: {  	_ =	shalt  }
0x85: {  	_ =	shalt  }
0x86: {  	_ =	shalt  }
0x87: {  	_ =	shalt  }
.Lfunc_end0:
.L_simem_size_0:
called_computation_lowered:
.L_overlay_start_0:
0x88: {  	s2 =	sld [smem:$0x3FD9]  }
0x89: {  	s3 =	sld [smem:$0x3FFE];
	_ =	sdelay $0x1  }
0x8a: {  	s1 =	srdreg.scid  }
0x8b: {  	s0 =	sand.u32 $0x1, s1  }
0x8c: {  	s17 =	sshll.u32 s0, $0xA;
	s2 =	sadd.s32 s3, s2  }
0x8d: {  	s2 =	sadd.s32 s2, s17  }
0x8e: {  	[smem:$0x3FC4] =	sst s2  }
0x8f: {  	_ = 	snop  }
0x90: {  	s2 =	sld [smem:$0x3FD0];
	(tm) =	ssettm $0x1  }
0x91: {  	s18 =	sld [smem:$0x3FFB];
	_ =	sdelay $0x3  }
0x92: {  	_ =	strace s18  }
0x93: {  	s3 =	sld [smem:$0x3FFC];
	_ =	sdelay $0x3  }
0x94: {  	_ =	strace s3  }
0x95: {  	s3 =	sld [smem:$0x3FFD];
	_ =	sdelay $0x3  }
0x96: {  	_ =	strace s3  }
0x97: {  	_ =	strace $0x8FFFFFFF  }
0x98: {  	s19 =	sld [smem:$0x3FDB];
	_ =	sdelay $0x1  }
0x99: {  	s4 =	simm.s32 $_scs_section_size  }
0x9a: {  	s5 =	simm.s32 $_size__tile_overlayer_lowered;
	s6 =	simm.s32 $_tile_overlayer_lowered  }
0x9b: {  	s22 =	simm.s32 $0x1BFF;
	s21 =	sshll.u32 s6, $0x1;
	s3 =	sadd.s32 s4, s19  }
0x9c: {  	s7 =	simm.s32 $0x0;
	s20 =	sshll.u32 s5, $0x1;
	s5 =	sadd.s32 s21, s3  }
0x9d: {  	[timem:s7], [sflag:s22] =	dma.local [hbm:s5], s20  }
0x9e: {  	_ =	swait.ge [sflag:s22], s20  }
0x9f: {  	s4 =	ssub.s32 $0x0, s20;
	[sflag:s22] =	ssyncset.done $0x0  }
0xa0: {  	[sflag:s22] =	ssyncadd.s32 s4;
	_ =	sdelay $0x1  }
0xa1: {  	s23 =	simm.s32 $0x1B8B  }
0xa2: {  	_ =	swait.ge [sflag:s23], $0x1  }
0xa3: {  	[sflag:s23] =	ssyncset.done $0x0  }
0xa4: {  	s25 =	simm.s32 $0x1B8E;
	s24 =	sld [smem:$0x3FFE];
	[sflag:s23] =	ssyncadd.s32 $0xFFFFFFFF  }
0xa5: {  	s26 =	simm.s32 $execute0_lowered;
	[smem:$0x3FD2] =	sst s25  }
0xa6: {  	s5 =	sshll.u32 s26, $0x1;
	_ =	strace $0x80000046;
	[dreg:$0x1] =	wrdreg $0xFFFFFFFF  }
0xa7: {  	s28 =	simm.s32 $_size_execute0_lowered;
	s3 =	sadd.s32 s3, s5;
	[dreg:$0x0] =	wrdreg $0x0  }
0xa8: {  	s5 =	sshll.u32 s28, $0x1;
	[dreg:$0x2] =	wrdreg s3  }
0xa9: {  	[dreg:$0x3] =	wrdreg s5  }
0xaa: {  	[dreg:$0x4] =	wrdreg $0xC0  }
0xab: {  	_ =	task [dreg:s7], $0x5FFFF  }
0xac: {  	[dreg:$0x1] =	wrdreg $0xFFFFFFFF  }
0xad: {  	[dreg:$0x0] =	wrdreg $0x60  }
0xae: {  	[dreg:$0x2] =	wrdreg s24  }
0xaf: {  	[dreg:$0x3] =	wrdreg s2  }
0xb0: {  	[dreg:$0x4] =	wrdreg $0xBC000  }
0xb1: {  	[dreg:$0x5] =	wrdreg $0x9  }
0xb2: {  	_ =	task.clear_ibuf [dreg:s7], $0x6FFFF;
	_ =	strace $0x90000046  }
0xb3: {  	s29 =	simm.s32 $0x9;
	_ =	strace $0x80000048  }
0xb4: {  	_ =	swait.ge [sflag:s29], $0x1  }
0xb5: {  	[sflag:s29] =	ssyncadd.s32 $0xFFFFFFFF  }
0xb6: {  	_ =	strace $0x90000048  }
0xb7: {  	_ =	sfence  }
0xb8: {  	s30 =	sld [smem:$0x0];
	_ =	sdelay $0x2  }
0xb9: {  	s31 =	sshll.u32 s1, $0xD;
	s1 =	sshrl.u32 s1, $0x2  }
0xba: {  	s3 =	sand.u32 $0x4000, s31;
	s1 =	sadd.s32 s1, s30  }
0xbb: {  	s0 =	sor.u32 s3, s0;
	s1 =	sshll.u32 s1, $0x11  }
0xbc: {  	s0 =	sor.u32 s1, s0  }
0xbd: {  	s0 =	sadd.s32 $0x8F2B, s0  }
0xbe: {  	[sflag:s0] =	ssyncadd.remote.s32 $0x1  }
0xbf: {  	_ =	sfence.sel $0xFFFF  }
0xc0: {  	[dreg:$0x0] =	wrdreg $0xFFFFFFFF;
	(pc) =	sbr.abs _section_cstart, $3  }
0xc1: {  	[dreg:$0x1] =	wrdreg $0xFFFFFFFF  }
0xc2: {  	_ =	task.clear_ibuf [dreg:s7], $0x2FFFF;
	_ =	strace $0x9FFFFFFF  }
0xc3: {  	(tm) =	ssettm $0x7FFFFFFF  }
tec
execute0_lowered:
.L_overlay_start_1:
0x0: {  	(tag) =	ssettag $0x1  }
0x1: {  	s5 =	rddreg [dreg:$0x0]  }
0x2: {  	s11 =	rddreg [dreg:$0x1]  }
0x3: {  	s0 =	srdreg.scid;
	s2 =	rddreg [dreg:$0x2]  }
0x4: {  	s1 =	rddreg [dreg:$0x3];
	s9 =	sand.u32 $0x1, s0  }
0x5: {  	s3 =	simm.s32 $0x0;
	s0 =	stileid.u32;
	s4 =	smul.u32 $0x28000, s9  }
0x6: {  	s16 =	simm.s32 $0x80;
	s17 =	simm.s32 $0x3C00;
	s10 =	smul.u32 $0x2800, s0  }
0x7: {  	s18 =	simm.s32 $0x7C00;
	s19 =	simm.s32 $0x2800;
	s6 =	smul.u32 $0x140000, s9  }
0x8: {  	s20 =	simm.s32 $0x1;
	s21 =	simm.s32 $0x2;
	s8 =	smul.u32 $0x14000, s0  }
0x9: {  	s22 =	simm.s32 $0x3B00;
	[smem:$0x7FF] =	sst s3;
	s14 =	smul.u32 $0x50000, s0  }
0xa: {  	s12 =	sadd.s32 $0x400, s5;
	_ =	strace $0x80000047;
	s24 =	smul.u32 $0x500, s0  }
0xb: {  	s23 =	ssub.s32 $0x2, s9;
	s26 =	smul.u32 $0x28000, s0;
	s28 =	sshll.u32 s9, $0xA  }
0xc: {  	s30 =	sshll.u32 s9, $0x7;
	s31 =	sshll.u32 s0, $0x6;
	p0 =	seq.s32 s0, $0xF  }
0xd: {  	s13 =	sshrl.u32 s23, $0x1;
	s4 =	sadd.s32 s10, s4;
	s6 =	sadd.s32 s8, s6  }
0xe: {  	s13 =	ssub.s32 s23, s13;
	s25 =	sshrl.u32 s14, $0x2;
	s8 =	sadd.s32 s12, s24  }
0xf: {  	s10 =	sshrl.u32 s10, $0x3;
	s14 =	sor.u32 s28, s26;
	s24 =	sadd.s32 $0x12C000, s2  }
0x10: {  	s23 =	simm.s32 $0x3B80;
	s7 =	sshrl.u32 s4, $0x3;
	s4 =	sadd.s32 $0xF400, s5  }
0x11: {  	s6 =	sshrl.u32 s6, $0x3;
	s10 =	sadd.s32 s12, s10;
	s29 =	sshrl.u32 s14, $0x3  }
0x12: {  	s12 =	smax.u32 s13, $0x1;
	s13 =	simm.s32 $0x3;
	s14 =	sor.u32 $0x1C03, s31  }
0x13: {  	s24 =	sshrl.u32 @p0 s24, $0x3;
	s7 =	sadd.s32 s7, s5;
	s15 =	sadd.s32 s6, s5  }
0x14: {  	s6 =	sadd.s32 s25, s2;
	s9 =	sadd.s32 $0x280, s10;
	s10 =	sadd.s32 s11, s29  }
0x15: {  	s11 =	sadd.s32 s30, s11;
	s25 =	simm.s32 $0x0;
	s5 =	sadd.s32 $0x5400, s7  }
0x16: {  	s7 =	sadd.s32 $0x5D600, s15;
	s11 =	sadd.s32 $0x4B000, s11;
	s15 =	sshrl.u32 s6, $0x3  }
.LBB2_1:
0x17: {  	[tilespmem:s3], [sflag:$0x3] =	stream.linear.gather [hbm4b:s5+s3], $0x2800, $0x38;
	[tilespmem:$0x1FC00] =	vst v63  }
0x18: {  	_ =	swait.ge [sflag:s13], $0x2800  }
0x19: {  	[sflag:s13] =	ssyncset.done $0x0  }
0x1a: {  	[sflag:s13] =	ssyncadd.s32 $0xFFFFD800  }
0x1b: {  	[spmem:s15], [sflag:s14] =	dma.local [hbm:s7], $0x2800  }
0x1c: {  	_ =	swait.ge [sflag:s13], $0x2800  }
0x1d: {  	[sflag:s13] =	ssyncset.done $0x0  }
0x1e: {  	[sflag:s13] =	ssyncadd.s32 $0xFFFFD800  }
0x1f: {  	[bflag:$0x0] =	sbarrier.arrive $0xFFFF  }
0x20: {  	[tilespmem:s17], [sflag:$0x1] =	stream.indirect.gather [hbm4b:s4+s16], $0x80, s3, s16, $0xb8;
	[tilespmem:$0x1FC00] =	vst v63  }
0x21: {  	_ = 	snop  }
0x22: {  	[tilespmem:s18], [sflag:$0x2] =	stream.indirect.gather [hbm4b:s4+s16], $0x80, s16, s16, $0xb8;
	[tilespmem:$0x1FC00] =	vst v63  }
0x23: {  	_ = 	snop  }
0x24: {  	[tilespmem:s19], [sflag:$0x3] =	stream.linear.gather [hbm4b:s8+s3], $0x1400, $0x38;
	[tilespmem:$0x1FC00] =	vst v63  }
0x25: {  	_ =	swait.ge [sflag:s13], $0x1400  }
0x26: {  	[sflag:s13] =	ssyncset.done $0x0  }
0x27: {  	[sflag:s13] =	ssyncadd.s32 $0xFFFFEC00  }
0x28: {  	_ =	swait.ge [sflag:s20], $0x4000  }
0x29: {  	[sflag:s20] =	ssyncset.done $0x0  }
0x2a: {  	s26 =	simm.s32 $0x2800;
	[sflag:s20] =	ssyncadd.s32 $0xFFFFC000  }
0x2b: {  	[spmem:s2] =	stream.indirect.scatter.add.f32 [tilespmem:s17], [sflag:$0x3], $0x80, s26, s16, $0xb8;
	[tilespmem:$0x1FC00] =	vst v63  }
0x2c: {  	_ =	swait.ge [sflag:s13], $0x4000  }
0x2d: {  	[sflag:s13] =	ssyncset.done $0x0  }
0x2e: {  	s30 =	simm.s32 $0x100;
	[sflag:s13] =	ssyncadd.s32 $0xFFFFC000  }
0x2f: {  	[tilespmem:s17], [sflag:$0x1] =	stream.indirect.gather [hbm4b:s4+s16], $0x80, s30, s16, $0xb8;
	[tilespmem:$0x1FC00] =	vst v63  }
0x30: {  	_ =	swait.ge [sflag:s21], $0x4000  }
0x31: {  	[sflag:s21] =	ssyncset.done $0x0  }
0x32: {  	s31 =	simm.s32 $0x2880;
	[sflag:s21] =	ssyncadd.s32 $0xFFFFC000  }
0x33: {  	[spmem:s2] =	stream.indirect.scatter.add.f32 [tilespmem:s18], [sflag:$0x3], $0x80, s31, s16, $0xb8;
	[tilespmem:$0x1FC00] =	vst v63  }
0x34: {  	_ =	swait.ge [sflag:s13], $0x4000  }
0x35: {  	[sflag:s13] =	ssyncset.done $0x0  }
0x36: {  	s28 =	simm.s32 $0x180;
	s26 =	simm.s32 $0x400;
	[sflag:s13] =	ssyncadd.s32 $0xFFFFC000  }
.LBB2_2:
0x37: {  	[tilespmem:s18], [sflag:$0x2] =	stream.indirect.gather [hbm4b:s4+s16], $0x80, s28, s16, $0xb8;
	[tilespmem:$0x1FC00] =	vst v63  }
0x38: {  	s28 =	smov.u32 s26  }
0x39: {  	p1 =	sne.s32 s26, $0x4C00;
	s26 =	sadd.s32 $0x400, s26;
	_ =	swait.ge [sflag:s20], $0x4000  }
0x3a: {  	s28 =	sshra.s32 s28, $0x2;
	[sflag:s20] =	ssyncset.done $0x0  }
0x3b: {  	s29 =	sadd.s32 $0x2800, s28;
	[sflag:s20] =	ssyncadd.s32 $0xFFFFC000  }
0x3c: {  	[spmem:s2] =	stream.indirect.scatter.add.f32 [tilespmem:s17], [sflag:$0x3], $0x80, s29, s16, $0xb8;
	[tilespmem:$0x1FC00] =	vst v63  }
0x3d: {  	_ =	swait.ge [sflag:s13], $0x4000  }
0x3e: {  	[sflag:s13] =	ssyncset.done $0x0  }
0x3f: {  	s29 =	sadd.s32 $0x100, s28;
	[sflag:s13] =	ssyncadd.s32 $0xFFFFC000  }
0x40: {  	[tilespmem:s17], [sflag:$0x1] =	stream.indirect.gather [hbm4b:s4+s16], $0x80, s29, s16, $0xb8;
	[tilespmem:$0x1FC00] =	vst v63  }
0x41: {  	_ =	swait.ge [sflag:s21], $0x4000  }
0x42: {  	[sflag:s21] =	ssyncset.done $0x0  }
.Ltmp0:
0x43: {  	s29 =	sadd.s32 $0x2880, s28;
	[sflag:s21] =	ssyncadd.s32 $0xFFFFC000;
	(pc) =	sbr.rel @p1 .LBB2_2-.Ltmp0, $4  }
0x44: {  	[spmem:s2] =	stream.indirect.scatter.add.f32 [tilespmem:s18], [sflag:$0x3], $0x80, s29, s16, $0xb8;
	[tilespmem:$0x1FC00] =	vst v63  }
0x45: {  	_ =	swait.ge [sflag:s13], $0x4000  }
0x46: {  	[sflag:s13] =	ssyncset.done $0x0  }
0x47: {  	s28 =	sadd.s32 $0x180, s28;
	[sflag:s13] =	ssyncadd.s32 $0xFFFFC000  }
0x48: {  	[tilespmem:s18], [sflag:$0x2] =	stream.indirect.gather [hbm4b:s4+s16], $0x80, s28, s16, $0xb8;
	[tilespmem:$0x1FC00] =	vst v63  }
0x49: {  	s26 =	simm.s32 $0x0  }
0x4a: {  	[tilespmem:s19], [sflag:$0x3] =	stream.linear.gather [hbm4b:s9+s26], $0x1400, $0x38;
	[tilespmem:$0x1FC00] =	vst v63  }
0x4b: {  	_ =	swait.ge [sflag:s13], $0x1400  }
0x4c: {  	[sflag:s13] =	ssyncset.done $0x0  }
0x4d: {  	[sflag:s13] =	ssyncadd.s32 $0xFFFFEC00  }
0x4e: {  	_ =	swait.ge [sflag:s20], $0x4000  }
0x4f: {  	[sflag:s20] =	ssyncset.done $0x0  }
0x50: {  	s29 =	simm.s32 $0x2800;
	[sflag:s20] =	ssyncadd.s32 $0xFFFFC000  }
0x51: {  	[spmem:s2] =	stream.indirect.scatter.add.f32 [tilespmem:s17], [sflag:$0x3], $0x80, s29, s16, $0xb8;
	[tilespmem:$0x1FC00] =	vst v63  }
0x52: {  	_ =	swait.ge [sflag:s13], $0x4000  }
0x53: {  	[sflag:s13] =	ssyncset.done $0x0  }
0x54: {  	s30 =	simm.s32 $0x1500;
	[sflag:s13] =	ssyncadd.s32 $0xFFFFC000  }
0x55: {  	[tilespmem:s17], [sflag:$0x1] =	stream.indirect.gather [hbm4b:s4+s16], $0x80, s30, s16, $0xb8;
	[tilespmem:$0x1FC00] =	vst v63  }
0x56: {  	_ =	swait.ge [sflag:s21], $0x4000  }
0x57: {  	[sflag:s21] =	ssyncset.done $0x0  }
0x58: {  	s31 =	simm.s32 $0x2880;
	[sflag:s21] =	ssyncadd.s32 $0xFFFFC000  }
0x59: {  	[spmem:s2] =	stream.indirect.scatter.add.f32 [tilespmem:s18], [sflag:$0x3], $0x80, s31, s16, $0xb8;
	[tilespmem:$0x1FC00] =	vst v63  }
0x5a: {  	_ =	swait.ge [sflag:s13], $0x4000  }
0x5b: {  	[sflag:s13] =	ssyncset.done $0x0  }
0x5c: {  	s28 =	simm.s32 $0x1580;
	s26 =	simm.s32 $0x400;
	[sflag:s13] =	ssyncadd.s32 $0xFFFFC000  }
.LBB2_4:
0x5d: {  	[tilespmem:s18], [sflag:$0x2] =	stream.indirect.gather [hbm4b:s4+s16], $0x80, s28, s16, $0xb8;
	[tilespmem:$0x1FC00] =	vst v63  }
0x5e: {  	s28 =	smov.u32 s26  }
0x5f: {  	p1 =	sne.s32 s26, $0x4800;
	s26 =	sadd.s32 $0x400, s26;
	_ =	swait.ge [sflag:s20], $0x4000  }
0x60: {  	s28 =	sshra.s32 s28, $0x2;
	[sflag:s20] =	ssyncset.done $0x0  }
0x61: {  	s29 =	sadd.s32 $0x2800, s28;
	[sflag:s20] =	ssyncadd.s32 $0xFFFFC000  }
0x62: {  	[spmem:s2] =	stream.indirect.scatter.add.f32 [tilespmem:s17], [sflag:$0x3], $0x80, s29, s16, $0xb8;
	[tilespmem:$0x1FC00] =	vst v63  }
0x63: {  	_ =	swait.ge [sflag:s13], $0x4000  }
0x64: {  	[sflag:s13] =	ssyncset.done $0x0  }
0x65: {  	s29 =	sadd.s32 $0x1500, s28;
	[sflag:s13] =	ssyncadd.s32 $0xFFFFC000  }
0x66: {  	[tilespmem:s17], [sflag:$0x1] =	stream.indirect.gather [hbm4b:s4+s16], $0x80, s29, s16, $0xb8;
	[tilespmem:$0x1FC00] =	vst v63  }
0x67: {  	_ =	swait.ge [sflag:s21], $0x4000  }
0x68: {  	[sflag:s21] =	ssyncset.done $0x0  }
.Ltmp1:
0x69: {  	s29 =	sadd.s32 $0x2880, s28;
	[sflag:s21] =	ssyncadd.s32 $0xFFFFC000;
	(pc) =	sbr.rel @p1 .LBB2_4-.Ltmp1, $4  }
0x6a: {  	[spmem:s2] =	stream.indirect.scatter.add.f32 [tilespmem:s18], [sflag:$0x3], $0x80, s29, s16, $0xb8;
	[tilespmem:$0x1FC00] =	vst v63  }
0x6b: {  	_ =	swait.ge [sflag:s13], $0x4000  }
0x6c: {  	[sflag:s13] =	ssyncset.done $0x0  }
0x6d: {  	s28 =	sadd.s32 $0x1580, s28;
	[sflag:s13] =	ssyncadd.s32 $0xFFFFC000  }
0x6e: {  	[tilespmem:s18], [sflag:$0x2] =	stream.indirect.gather [hbm4b:s4+s16], $0x80, s28, s16, $0xb8;
	[tilespmem:$0x1FC00] =	vst v63  }
0x6f: {  	_ =	swait.ge [sflag:s20], $0x4000  }
0x70: {  	[sflag:s20] =	ssyncset.done $0x0  }
0x71: {  	[sflag:s20] =	ssyncadd.s32 $0xFFFFC000  }
0x72: {  	[spmem:s2] =	stream.indirect.scatter.add.f32 [tilespmem:s17], [sflag:$0x3], $0x80, s22, s16, $0xb8;
	[tilespmem:$0x1FC00] =	vst v63  }
0x73: {  	_ =	swait.ge [sflag:s13], $0x4000  }
0x74: {  	[sflag:s13] =	ssyncset.done $0x0  }
0x75: {  	[sflag:s13] =	ssyncadd.s32 $0xFFFFC000  }
0x76: {  	_ =	swait.ge [sflag:s21], $0x4000  }
0x77: {  	[sflag:s21] =	ssyncset.done $0x0  }
0x78: {  	[sflag:s21] =	ssyncadd.s32 $0xFFFFC000  }
0x79: {  	[spmem:s2] =	stream.indirect.scatter.add.f32 [tilespmem:s18], [sflag:$0x3], $0x80, s23, s16, $0xb8;
	[tilespmem:$0x1FC00] =	vst v63  }
0x7a: {  	_ =	swait.ge [sflag:s13], $0x4000  }
0x7b: {  	[sflag:s13] =	ssyncset.done $0x0  }
0x7c: {  	s26 =	simm.s32 @p0 $0x8;
	[sflag:s13] =	ssyncadd.s32 $0xFFFFC000  }
0x7d: {  	s28 =	simm.s32 @p0 $0x100;
	s29 =	simm.s32 @p0 $0x80;
	[bflag:$0x0] =	sbarrier.arrive $0xFFFF  }
0x7e: {  	[hbm:s11@s28], [sflag:s14] =	dma.strided @p0 [spmem:s24@s29], $0x1900, s26, $0x10   }
0x7f: {  	s26 =	simm.s32 @p0 $0x3  }
0x80: {  	s30 =	simm.s32 @!p0 $0x80;
	s25 =	sadd.s32 $0x1, s25;
	_ =	swait.ge @p0 [sflag:s26], $0x1900  }
0x81: {  	p1 =	sne.s32 s25, s12;
	s28 =	simm.s32 @!p0 $0x8;
	[sflag:s26] =	ssyncset.done @p0 $0x0  }
0x82: {  	s29 =	simm.s32 @!p0 $0x100;
	[sflag:s26] =	ssyncadd.s32 @p0 $0xFFFFE700;
	s26 =	sshrl.u32 @!p0 s6, $0x3  }
0x83: {  	[hbm:s10@s29], [sflag:s14] =	dma.strided @!p0 [spmem:s26@s30], $0x2800, s28, $0x10   }
.Ltmp2:
0x84: {  	_ = 	snop;
	(pc) =	sbr.rel @p1 .LBB2_1-.Ltmp2, $4  }
0x85: {  	s26 =	simm.s32 @!p0 $0x3  }
0x86: {  	_ =	swait.ge @!p0 [sflag:s26], $0x2800  }
0x87: {  	[sflag:s26] =	ssyncset.done @!p0 $0x0  }
0x88: {  	[sflag:s26] =	ssyncadd.s32 @!p0 $0xFFFFD800  }
0x89: {  	_ =	sfence.sel $0x180000  }
0x8a: {  	[bflag:$0x0] =	sbarrier.arrive $0xFFFF  }
0x8b: {  	p0 =	sne.s32 s0, $0x0;
	_ =	strace $0x90000047  }
0x8c: {  	s0 =	sadd.s32 @!p0 $0x100000, s1;
	[bflag:$0x2] =	sbarrier.arrive $0xFFFF  }
0x8d: {  	[sflag:s0] =	ssyncadd.tile.s32 @!p0 $0x1;
	_ =	shalt  }
.Lfunc_end2:
_tile_overlayer_lowered:
.L_overlay_start_2:
0x8e: {  	(tag) =	ssettag $0x2  }
0x8f: {  	s0 =	rddreg [dreg:$0x0];
	s2 =	stileid.u32  }
0x90: {  	s1 =	rddreg [dreg:$0x1];
	p0 =	sne.s32 s2, $0x0  }
0x91: {  	s3 =	rddreg [dreg:$0x2];
	[bflag:$0x3] =	sbarrier.arrive $0xFFFF;
	s2 =	simm.s32 @!p0 $0x1C03  }
0x92: {  	[timem:s3], [sflag:s2] =	dma.local @!p0 [hbm:s0], s1  }
0x93: {  	s0 =	simm.s32 @!p0 $0x3  }
0x94: {  	_ =	swait.ge @!p0 [sflag:s0], s1  }
0x95: {  	s1 =	ssub.s32 @!p0 $0x0, s1;
	[sflag:s0] =	ssyncset.done @!p0 $0x0  }
0x96: {  	[sflag:s0] =	ssyncadd.s32 @!p0 s1  }
0x97: {  	[bflag:$0x3] =	sbarrier.arrive $0xFFFF  }
0x98: {  	_ =	shalt  }

</sc_bundles>
